<compile_context>
chip_gen: v7x
topology: tpu7x:2x2x1
jax: 0.10.2.dev20260603
libtpu: 0.0.44.dev20260713+nightly
codegen_flags: <defaults>
</compile_context>

<pallas_src>
import jax
import jax.numpy as jnp
from jax.experimental import pallas as pl
import jax.experimental.pallas.tpu as pltpu
from jax.experimental.pallas import tpu_sc as plsc

T = 2048
D = 1024
E = 8
FF = 1024
TT = 256
NT = T // TT
TTC = 256
NTILES = 24
NSLOT = NTILES * TTC
NA = 2 * T

_SC_INFO = plsc.get_sparse_core_info()
_NC, _NS = _SC_INFO.num_cores, _SC_INFO.num_subcores
_NW = _NC * _NS


def _router_body(x_ref, scale_ref, gk_ref, gb_ref,
                 normed_ref, mf_ref, pos_ref, te_ref, used_ref,
                 mi_s, base_s, l_s):
    t = pl.program_id(0)

    @pl.when(t == 0)
    def _init():
        base_s[...] = jnp.zeros_like(base_s)
        row = jax.lax.broadcasted_iota(jnp.int32, (TT, TT), 0)
        col = jax.lax.broadcasted_iota(jnp.int32, (TT, TT), 1)
        l_s[...] = (row > col).astype(jnp.float32)

    xt = x_ref[...]
    rms = jnp.sqrt(jnp.mean(xt * xt, axis=-1, keepdims=True) + 1e-5)
    normed = (xt / rms) * scale_ref[0, :]
    normed_ref[...] = normed

    logits = jax.lax.dot_general(
        normed, gk_ref[...], (((1,), (0,)), ((), ())),
        preferred_element_type=jnp.float32) + gb_ref[0, :]
    iota = jax.lax.broadcasted_iota(jnp.int32, (TT, E), 1)
    m1 = jnp.max(logits, axis=-1, keepdims=True)
    idx1 = jnp.min(jnp.where(logits == m1, iota, E), axis=-1, keepdims=True)
    masked = jnp.where(iota == idx1, -jnp.inf, logits)
    m2 = jnp.max(masked, axis=-1, keepdims=True)
    idx2 = jnp.min(jnp.where(masked == m2, iota, E), axis=-1, keepdims=True)
    e2 = jnp.exp(m2 - m1)
    denom = 1.0 + e2
    wa = 1.0 / denom
    wb = e2 / denom

    a0 = (iota == idx1).astype(jnp.float32)
    a1 = (iota == idx2).astype(jnp.float32)
    ctile = a0 + a1
    prefix = jax.lax.dot_general(
        l_s[...], ctile, (((1,), (0,)), ((), ())),
        preferred_element_type=jnp.float32) + base_s[...]
    r0 = jnp.sum(a0 * prefix, axis=-1, keepdims=True)
    r1 = jnp.sum(a1 * prefix, axis=-1, keepdims=True)

    mi_s[pl.ds(t * TT, TT), :] = jnp.concatenate(
        [idx1, idx2, r0.astype(jnp.int32), r1.astype(jnp.int32)], axis=1)
    mf_ref[...] = jnp.concatenate([wa, wb], axis=1)
    base_s[...] = base_s[...] + jnp.sum(ctile, axis=0, keepdims=True)

    @pl.when(t == NT - 1)
    def _dispatch():
        cnt = base_s[...]
        ntile = jnp.floor((cnt + (TTC - 1)) * (1.0 / TTC))
        erow = jax.lax.broadcasted_iota(jnp.int32, (E, E), 0)
        ecol = jax.lax.broadcasted_iota(jnp.int32, (E, E), 1)
        ustrict = (erow < ecol).astype(jnp.float32)
        tb = jax.lax.dot_general(
            ntile, ustrict, (((1,), (0,)), ((), ())),
            preferred_element_type=jnp.float32)
        off = tb * TTC

        ai1 = mi_s[:, 0:1]
        ai2 = mi_s[:, 1:2]
        ar0 = mi_s[:, 2:3]
        ar1 = mi_s[:, 3:4]
        tiota = jax.lax.broadcasted_iota(jnp.int32, (T, E), 1)
        b0 = (tiota == ai1).astype(jnp.float32)
        b1 = (tiota == ai2).astype(jnp.float32)
        pos0 = jnp.sum(b0 * off, axis=-1, keepdims=True).astype(jnp.int32) + ar0
        pos1 = jnp.sum(b1 * off, axis=-1, keepdims=True).astype(jnp.int32) + ar1
        pos_ref[...] = jnp.concatenate([pos0, pos1], axis=1)

        jt = jax.lax.broadcasted_iota(jnp.int32, (NTILES, E), 0).astype(jnp.float32)
        inb = jnp.where((jt >= tb) & (jt < tb + ntile), 1.0, 0.0)
        eid = jax.lax.broadcasted_iota(jnp.int32, (NTILES, E), 1).astype(jnp.float32)
        te = jnp.sum(inb * eid, axis=-1, keepdims=True) + \
            (1.0 - jnp.sum(inb, axis=-1, keepdims=True)) * (E - 1)
        te_ref[...] = te.astype(jnp.int32)
        used_ref[...] = jnp.sum(
            ntile, axis=-1, keepdims=True).astype(jnp.int32)


def _router(x, scale, gate_kernel, gate_bias):
    return pl.pallas_call(
        _router_body,
        grid=(NT,),
        in_specs=[
            pl.BlockSpec((TT, D), lambda t: (t, 0)),
            pl.BlockSpec((1, D), lambda t: (0, 0)),
            pl.BlockSpec((D, E), lambda t: (0, 0)),
            pl.BlockSpec((1, E), lambda t: (0, 0)),
        ],
        out_specs=[
            pl.BlockSpec((TT, D), lambda t: (t, 0)),
            pl.BlockSpec((TT, 2), lambda t: (t, 0)),
            pl.BlockSpec((T, 2), lambda t: (0, 0)),
            pl.BlockSpec((NTILES, 1), lambda t: (0, 0)),
            pl.BlockSpec((1, 1), lambda t: (0, 0)),
        ],
        out_shape=[
            jax.ShapeDtypeStruct((T, D), jnp.float32),
            jax.ShapeDtypeStruct((T, 2), jnp.float32),
            jax.ShapeDtypeStruct((T, 2), jnp.int32),
            jax.ShapeDtypeStruct((NTILES, 1), jnp.int32),
            jax.ShapeDtypeStruct((1, 1), jnp.int32),
        ],
        scratch_shapes=[
            pltpu.VMEM((T, 4), jnp.int32),
            pltpu.VMEM((1, E), jnp.float32),
            pltpu.VMEM((TT, TT), jnp.float32),
        ],
    )(x, scale.reshape(1, D), gate_kernel, gate_bias.reshape(1, E))


def _scatter_rows(normed, p0, p1):
    b_per_w = T // _NW
    mesh = plsc.VectorSubcoreMesh(core_axis_name="c", subcore_axis_name="s")

    def body(normed_hbm, p0_hbm, p1_hbm, gx_hbm, rows_v, idx_v, sem):
        wid = jax.lax.axis_index("s") * _NC + jax.lax.axis_index("c")
        base = wid * b_per_w
        pltpu.sync_copy(normed_hbm.at[pl.ds(base, b_per_w)], rows_v)
        pltpu.sync_copy(p0_hbm.at[pl.ds(base, b_per_w)], idx_v)
        pltpu.async_copy(rows_v, gx_hbm.at[idx_v], sem).wait()
        pltpu.sync_copy(p1_hbm.at[pl.ds(base, b_per_w)], idx_v)
        pltpu.async_copy(rows_v, gx_hbm.at[idx_v], sem).wait()

    f = pl.kernel(
        body,
        out_type=jax.ShapeDtypeStruct((NSLOT, D), jnp.float32),
        mesh=mesh,
        scratch_types=[
            pltpu.VMEM((b_per_w, D), jnp.float32),
            pltpu.VMEM((b_per_w,), jnp.int32),
            pltpu.SemaphoreType.DMA,
        ],
    )
    return f(normed, p0, p1)


def _gather_rows(table, idx, nrows_total, sub=64):
    b_per_w = nrows_total // _NW
    nsub = b_per_w // sub
    mesh = plsc.VectorSubcoreMesh(core_axis_name="c", subcore_axis_name="s")

    def body(table_hbm, idx_hbm, out_hbm, idx_v, rows_v, sem):
        wid = jax.lax.axis_index("s") * _NC + jax.lax.axis_index("c")
        base = wid * b_per_w
        for k in range(nsub):
            pltpu.sync_copy(idx_hbm.at[pl.ds(base + k * sub, sub)], idx_v)
            pltpu.async_copy(table_hbm.at[idx_v], rows_v, sem).wait()
            pltpu.sync_copy(rows_v, out_hbm.at[pl.ds(base + k * sub, sub)])

    f = pl.kernel(
        body,
        out_type=jax.ShapeDtypeStruct((nrows_total, D), jnp.float32),
        mesh=mesh,
        scratch_types=[
            pltpu.VMEM((sub,), jnp.int32),
            pltpu.VMEM((sub, D), jnp.float32),
            pltpu.SemaphoreType.DMA,
        ],
    )
    return f(table, idx)


def _expert_body(te_ref, used_ref, gx_ref, w1_ref, b1_ref, w2_ref, b2_ref,
                 o_ref):
    j = pl.program_id(0)

    @pl.when(j < used_ref[0, 0])
    def _compute():
        gx = gx_ref[...]
        m1out = jax.lax.dot_general(
            gx, w1_ref[0], (((1,), (1,)), ((), ())),
            preferred_element_type=jnp.float32) + b1_ref[0, 0, :]
        gate_part = jnp.minimum(m1out[:, :FF], 7.0)
        linear_part = jnp.clip(m1out[:, FF:], -7.0, 7.0)
        swish_gate = gate_part * jax.nn.sigmoid(1.702 * gate_part)
        activated = swish_gate * (linear_part + 1.0)
        o_ref[...] = jax.lax.dot_general(
            activated, w2_ref[0], (((1,), (1,)), ((), ())),
            preferred_element_type=jnp.float32) + b2_ref[0, 0, :]


def _experts(te, used, gx, mlp1_weight, mlp1_bias, mlp2_weight, mlp2_bias):
    grid_spec = pltpu.PrefetchScalarGridSpec(
        num_scalar_prefetch=2,
        grid=(NTILES,),
        in_specs=[
            pl.BlockSpec((TTC, D), lambda j, te, u: (j, 0)),
            pl.BlockSpec((1, 2 * FF, D), lambda j, te, u: (te[j, 0], 0, 0)),
            pl.BlockSpec((1, 1, 2 * FF), lambda j, te, u: (te[j, 0], 0, 0)),
            pl.BlockSpec((1, D, FF), lambda j, te, u: (te[j, 0], 0, 0)),
            pl.BlockSpec((1, 1, D), lambda j, te, u: (te[j, 0], 0, 0)),
        ],
        out_specs=pl.BlockSpec((TTC, D), lambda j, te, u: (j, 0)),
    )
    return pl.pallas_call(
        _expert_body,
        grid_spec=grid_spec,
        out_shape=jax.ShapeDtypeStruct((NSLOT, D), jnp.float32),
    )(te, used, gx,
      mlp1_weight, mlp1_bias.reshape(E, 1, 2 * FF),
      mlp2_weight, mlp2_bias.reshape(E, 1, D))


def _combine_body(x_ref, mf_ref, ga_ref, gb_ref, o_ref):
    wa = mf_ref[:, 0:1]
    wb = mf_ref[:, 1:2]
    o_ref[...] = x_ref[...] + wa * ga_ref[...] + wb * gb_ref[...]


def _combine(x, mf, gpair):
    return pl.pallas_call(
        _combine_body,
        grid=(NT,),
        in_specs=[
            pl.BlockSpec((TT, D), lambda t: (t, 0)),
            pl.BlockSpec((TT, 2), lambda t: (t, 0)),
            pl.BlockSpec((TT, D), lambda t: (t, 0)),
            pl.BlockSpec((TT, D), lambda t: (NT + t, 0)),
        ],
        out_specs=pl.BlockSpec((TT, D), lambda t: (t, 0)),
        out_shape=jax.ShapeDtypeStruct((T, D), jnp.float32),
    )(x, mf, gpair, gpair)


@jax.jit
def kernel(x, scale, gate_kernel, gate_bias, mlp1_weight, mlp1_bias,
           mlp2_weight, mlp2_bias):
    normed, mf, pos, te, used = _router(x, scale, gate_kernel, gate_bias)
    p0 = pos[:, 0]
    p1 = pos[:, 1]
    gx = _scatter_rows(normed, p0, p1)
    oslots = _experts(te, used, gx,
                      mlp1_weight, mlp1_bias, mlp2_weight, mlp2_bias)
    gpair = _gather_rows(oslots, jnp.concatenate([p0, p1]), NA)
    return _combine(x, mf, gpair)

# --- scband reference (transcript-rebuilt; emitter-appended) ---
"""Pipeline reference for scband-mlpblock-7198365188469 (READ-ONLY COPY).

The authoritative reference and input builder live on the scoring server;
editing this copy changes nothing except your own understanding.
"""

import jax, jax.numpy as jnp
import numpy as np

T = 2048
D = 1024
E = 8
FF = 1024
TOPK = 2


def setup_inputs(seed: int = 0) -> dict:
    key = jax.random.key(seed)
    ks = jax.random.split(key, 6)
    x = jax.random.normal(ks[0], (T, D), dtype=jnp.float32)
    scale = jnp.ones((D,), dtype=jnp.float32)
    gate_kernel = jax.random.normal(ks[1], (D, E), dtype=jnp.float32) * (1.0 / np.sqrt(D))
    gate_bias = jnp.zeros((E,), dtype=jnp.float32)
    mlp1_weight = jax.random.normal(ks[2], (E, 2 * FF, D), dtype=jnp.float32) * 0.02
    mlp1_bias = jnp.zeros((E, 2 * FF), dtype=jnp.float32)
    mlp2_weight = jax.random.normal(ks[3], (E, D, FF), dtype=jnp.float32) * 0.02
    mlp2_bias = jnp.zeros((E, D), dtype=jnp.float32)
    return {
        "x": x,
        "scale": scale,
        "gate_kernel": gate_kernel,
        "gate_bias": gate_bias,
        "mlp1_weight": mlp1_weight,
        "mlp1_bias": mlp1_bias,
        "mlp2_weight": mlp2_weight,
        "mlp2_bias": mlp2_bias,
    }


def reference(x, scale, gate_kernel, gate_bias, mlp1_weight, mlp1_bias, mlp2_weight, mlp2_bias):
    # RMSNorm
    t = x.astype(jnp.float32)
    rms = jnp.sqrt(jnp.mean(t ** 2, axis=-1, keepdims=True) + 1e-05)
    normed = ((t / rms) * scale).astype(x.dtype)
    # Router
    gate_logits = (normed @ gate_kernel + gate_bias).astype(normed.dtype)
    expert_logits, expert_indices = jax.lax.top_k(gate_logits, TOPK)
    expert_indices = expert_indices.astype(jnp.int32)
    expert_weights = jax.nn.softmax(expert_logits, axis=-1)
    # Experts (dense: every expert runs on every token)
    mlp1_kernel = jnp.transpose(mlp1_weight, (0, 2, 1))  # [E, D, 2*FF]
    mlp2_kernel = jnp.transpose(mlp2_weight, (0, 2, 1))  # [E, FF, D]

    def _run_expert(w1, b1, w2, b2):
        m1 = (normed @ w1 + b1).astype(normed.dtype)
        gate_part = jnp.minimum(m1[:, :FF], 7.0)
        linear_part = jnp.clip(m1[:, FF:], -7.0, 7.0)
        swish_gate = gate_part * jax.nn.sigmoid(1.702 * gate_part)
        activated = swish_gate * (linear_part + 1.0)
        return (activated @ w2 + b2).astype(normed.dtype)

    expert_outputs = jax.vmap(_run_expert, in_axes=(0, 0, 0, 0), out_axes=0)(
        mlp1_kernel, mlp1_bias, mlp2_kernel, mlp2_bias
    )
    expert_outputs = expert_outputs.transpose(1, 0, 2)  # [T, E, D]
    dense_gate_weights = jnp.sum(
        jax.nn.one_hot(expert_indices, E, dtype=expert_outputs.dtype) * expert_weights[..., None],
        axis=1,
    )  # [T, E]
    fused = jnp.sum(expert_outputs * dense_gate_weights[..., None], axis=1)
    return x + fused

if __name__ == "__main__":
    import jax
    _d = setup_inputs()
    print(jax.jit(kernel)(*tuple(_d.values())))

</pallas_src>

<mosaic_0001>
#map = affine_map<(d0, d1) -> (0, 0)>
#map1 = affine_map<(d0, d1) -> (0)>
module attributes {stable_mosaic.version = 14 : i64} {
  func.func @body(%arg0: i32, %arg1: i32, %arg2: memref<6144x1024xf32, #tpu.memory_space<hbm>>, %arg3: memref<4096xi32, #tpu.memory_space<hbm>>, %arg4: memref<4096x1024xf32, #tpu.memory_space<hbm>>, %arg5: memref<64xi32, #tpu.memory_space<vmem>>, %arg6: memref<64x1024xf32, #tpu.memory_space<vmem>>, %arg7: memref<!tpu.dma_semaphore, #tpu.memory_space<semaphore_mem>>) attributes {dimension_semantics = [#tpu.dimension_semantics<core_parallel>, #tpu.dimension_semantics<subcore_parallel>], iteration_bounds = array<i64: 2, 16>, scalar_prefetch = 0 : i64, scratch_operands = 3 : i64, tpu.core_type = #tpu.core_type<sc_vector_subcore>, window_params = [{transform_indices = #map}, {transform_indices = #map1}, {transform_indices = #map}]} {
    %mul3A = arith.constant 2 : i32
    %mul3A_0 = arith.muli %arg1, %mul3A : i32
    %add3A = arith.addi %mul3A_0, %arg0 : i32
    %mul3A_1 = arith.constant 128 : i32
    %mul3A_2 = arith.muli %add3A, %mul3A_1 : i32
    %add3A_3 = arith.constant 0 : i32
    %add3A_4 = arith.addi %mul3A_2, %add3A_3 : i32
    "tpu.region"() ({
      %run_scoped3A = tpu.sem_alloc : memref<!tpu.dma_semaphore, #tpu.memory_space<semaphore_mem>>
      %dma_start3A_21 = tpu.memref_slice %arg3[%add3A_4] : memref<4096xi32, #tpu.memory_space<hbm>> -> memref<64xi32, #tpu.memory_space<hbm>>
      %dma_start3A_22 = tpu.memref_slice %arg3[%add3A_4] : memref<4096xi32, #tpu.memory_space<hbm>> -> memref<64xi32, #tpu.memory_space<hbm>>
      tpu.enqueue_dma source(%dma_start3A_22 : memref<64xi32, #tpu.memory_space<hbm>>) target(%arg5 : memref<64xi32, #tpu.memory_space<vmem>>) target_semaphore(%run_scoped3A : memref<!tpu.dma_semaphore, #tpu.memory_space<semaphore_mem>>)
      %dma_wait3A_23 = tpu.memref_slice %arg3[%add3A_4] : memref<4096xi32, #tpu.memory_space<hbm>> -> memref<64xi32, #tpu.memory_space<hbm>>
      %dma_wait3A_24 = tpu.memref_slice %arg3[%add3A_4] : memref<4096xi32, #tpu.memory_space<hbm>> -> memref<64xi32, #tpu.memory_space<hbm>>
      tpu.wait_dma2 semaphore(%run_scoped3A : memref<!tpu.dma_semaphore, #tpu.memory_space<semaphore_mem>>) src(%dma_wait3A_24 : memref<64xi32, #tpu.memory_space<hbm>>) dst(%arg5 : memref<64xi32, #tpu.memory_space<vmem>>)
      tpu.yield
    }) : () -> ()
    %dma_start3A = arith.constant 0 : i32
    %dma_start3A_5 = arith.constant 0 : i32
    %dma_start3A_6 = tpu.memref_slice %arg2[%dma_start3A, %dma_start3A_5] : memref<6144x1024xf32, #tpu.memory_space<hbm>> -> memref<6144x1024xf32, #tpu.memory_space<hbm>>
    tpu.enqueue_indirect_dma source(%dma_start3A_6 : memref<6144x1024xf32, #tpu.memory_space<hbm>>) target(%arg6 : memref<64x1024xf32, #tpu.memory_space<vmem>>) offsets(%arg5 : memref<64xi32, #tpu.memory_space<vmem>>) semaphore(%arg7 : memref<!tpu.dma_semaphore, #tpu.memory_space<semaphore_mem>>)
    %dma_wait3A = arith.constant 0 : i32
    %dma_wait3A_7 = arith.constant 0 : i32
    %dma_wait3A_8 = tpu.memref_slice %arg2[%dma_wait3A, %dma_wait3A_7] : memref<6144x1024xf32, #tpu.memory_space<hbm>> -> memref<6144x1024xf32, #tpu.memory_space<hbm>>
    tpu.wait_indirect_dma semaphore(%arg7 : memref<!tpu.dma_semaphore, #tpu.memory_space<semaphore_mem>>) src(%dma_wait3A_8 : memref<6144x1024xf32, #tpu.memory_space<hbm>>) dst(%arg6 : memref<64x1024xf32, #tpu.memory_space<vmem>>)
    %add3A_9 = arith.constant 0 : i32
    %add3A_10 = arith.addi %mul3A_2, %add3A_9 : i32
    "tpu.region"() ({
      %run_scoped3A = tpu.sem_alloc : memref<!tpu.dma_semaphore, #tpu.memory_space<semaphore_mem>>
      %dma_start3A_21 = arith.constant 0 : i32
      %dma_start3A_22 = tpu.memref_slice %arg4[%add3A_10, %dma_start3A_21] : memref<4096x1024xf32, #tpu.memory_space<hbm>> -> memref<64x1024xf32, #tpu.memory_space<hbm>>
      %dma_start3A_23 = arith.constant 0 : i32
      %dma_start3A_24 = tpu.memref_slice %arg4[%add3A_10, %dma_start3A_23] : memref<4096x1024xf32, #tpu.memory_space<hbm>> -> memref<64x1024xf32, #tpu.memory_space<hbm>>
      tpu.enqueue_dma source(%arg6 : memref<64x1024xf32, #tpu.memory_space<vmem>>) target(%dma_start3A_24 : memref<64x1024xf32, #tpu.memory_space<hbm>>) target_semaphore(%run_scoped3A : memref<!tpu.dma_semaphore, #tpu.memory_space<semaphore_mem>>)
      %dma_wait3A_25 = arith.constant 0 : i32
      %dma_wait3A_26 = tpu.memref_slice %arg4[%add3A_10, %dma_wait3A_25] : memref<4096x1024xf32, #tpu.memory_space<hbm>> -> memref<64x1024xf32, #tpu.memory_space<hbm>>
      %dma_wait3A_27 = arith.constant 0 : i32
      %dma_wait3A_28 = tpu.memref_slice %arg4[%add3A_10, %dma_wait3A_27] : memref<4096x1024xf32, #tpu.memory_space<hbm>> -> memref<64x1024xf32, #tpu.memory_space<hbm>>
      tpu.wait_dma2 semaphore(%run_scoped3A : memref<!tpu.dma_semaphore, #tpu.memory_space<semaphore_mem>>) src(%arg6 : memref<64x1024xf32, #tpu.memory_space<vmem>>) dst(%dma_wait3A_28 : memref<64x1024xf32, #tpu.memory_space<hbm>>)
      tpu.yield
    }) : () -> ()
    %add3A_11 = arith.constant 64 : i32
    %add3A_12 = arith.addi %mul3A_2, %add3A_11 : i32
    "tpu.region"() ({
      %run_scoped3A = tpu.sem_alloc : memref<!tpu.dma_semaphore, #tpu.memory_space<semaphore_mem>>
      %dma_start3A_21 = tpu.memref_slice %arg3[%add3A_12] : memref<4096xi32, #tpu.memory_space<hbm>> -> memref<64xi32, #tpu.memory_space<hbm>>
      %dma_start3A_22 = tpu.memref_slice %arg3[%add3A_12] : memref<4096xi32, #tpu.memory_space<hbm>> -> memref<64xi32, #tpu.memory_space<hbm>>
      tpu.enqueue_dma source(%dma_start3A_22 : memref<64xi32, #tpu.memory_space<hbm>>) target(%arg5 : memref<64xi32, #tpu.memory_space<vmem>>) target_semaphore(%run_scoped3A : memref<!tpu.dma_semaphore, #tpu.memory_space<semaphore_mem>>)
      %dma_wait3A_23 = tpu.memref_slice %arg3[%add3A_12] : memref<4096xi32, #tpu.memory_space<hbm>> -> memref<64xi32, #tpu.memory_space<hbm>>
      %dma_wait3A_24 = tpu.memref_slice %arg3[%add3A_12] : memref<4096xi32, #tpu.memory_space<hbm>> -> memref<64xi32, #tpu.memory_space<hbm>>
      tpu.wait_dma2 semaphore(%run_scoped3A : memref<!tpu.dma_semaphore, #tpu.memory_space<semaphore_mem>>) src(%dma_wait3A_24 : memref<64xi32, #tpu.memory_space<hbm>>) dst(%arg5 : memref<64xi32, #tpu.memory_space<vmem>>)
      tpu.yield
    }) : () -> ()
    %dma_start3A_13 = arith.constant 0 : i32
    %dma_start3A_14 = arith.constant 0 : i32
    %dma_start3A_15 = tpu.memref_slice %arg2[%dma_start3A_13, %dma_start3A_14] : memref<6144x1024xf32, #tpu.memory_space<hbm>> -> memref<6144x1024xf32, #tpu.memory_space<hbm>>
    tpu.enqueue_indirect_dma source(%dma_start3A_15 : memref<6144x1024xf32, #tpu.memory_space<hbm>>) target(%arg6 : memref<64x1024xf32, #tpu.memory_space<vmem>>) offsets(%arg5 : memref<64xi32, #tpu.memory_space<vmem>>) semaphore(%arg7 : memref<!tpu.dma_semaphore, #tpu.memory_space<semaphore_mem>>)
    %dma_wait3A_16 = arith.constant 0 : i32
    %dma_wait3A_17 = arith.constant 0 : i32
    %dma_wait3A_18 = tpu.memref_slice %arg2[%dma_wait3A_16, %dma_wait3A_17] : memref<6144x1024xf32, #tpu.memory_space<hbm>> -> memref<6144x1024xf32, #tpu.memory_space<hbm>>
    tpu.wait_indirect_dma semaphore(%arg7 : memref<!tpu.dma_semaphore, #tpu.memory_space<semaphore_mem>>) src(%dma_wait3A_18 : memref<6144x1024xf32, #tpu.memory_space<hbm>>) dst(%arg6 : memref<64x1024xf32, #tpu.memory_space<vmem>>)
    %add3A_19 = arith.constant 64 : i32
    %add3A_20 = arith.addi %mul3A_2, %add3A_19 : i32
    "tpu.region"() ({
      %run_scoped3A = tpu.sem_alloc : memref<!tpu.dma_semaphore, #tpu.memory_space<semaphore_mem>>
      %dma_start3A_21 = arith.constant 0 : i32
      %dma_start3A_22 = tpu.memref_slice %arg4[%add3A_20, %dma_start3A_21] : memref<4096x1024xf32, #tpu.memory_space<hbm>> -> memref<64x1024xf32, #tpu.memory_space<hbm>>
      %dma_start3A_23 = arith.constant 0 : i32
      %dma_start3A_24 = tpu.memref_slice %arg4[%add3A_20, %dma_start3A_23] : memref<4096x1024xf32, #tpu.memory_space<hbm>> -> memref<64x1024xf32, #tpu.memory_space<hbm>>
      tpu.enqueue_dma source(%arg6 : memref<64x1024xf32, #tpu.memory_space<vmem>>) target(%dma_start3A_24 : memref<64x1024xf32, #tpu.memory_space<hbm>>) target_semaphore(%run_scoped3A : memref<!tpu.dma_semaphore, #tpu.memory_space<semaphore_mem>>)
      %dma_wait3A_25 = arith.constant 0 : i32
      %dma_wait3A_26 = tpu.memref_slice %arg4[%add3A_20, %dma_wait3A_25] : memref<4096x1024xf32, #tpu.memory_space<hbm>> -> memref<64x1024xf32, #tpu.memory_space<hbm>>
      %dma_wait3A_27 = arith.constant 0 : i32
      %dma_wait3A_28 = tpu.memref_slice %arg4[%add3A_20, %dma_wait3A_27] : memref<4096x1024xf32, #tpu.memory_space<hbm>> -> memref<64x1024xf32, #tpu.memory_space<hbm>>
      tpu.wait_dma2 semaphore(%run_scoped3A : memref<!tpu.dma_semaphore, #tpu.memory_space<semaphore_mem>>) src(%arg6 : memref<64x1024xf32, #tpu.memory_space<vmem>>) dst(%dma_wait3A_28 : memref<64x1024xf32, #tpu.memory_space<hbm>>)
      tpu.yield
    }) : () -> ()
    return
  }
}

#map = affine_map<(d0, d1) -> (0, 0)>
#map1 = affine_map<(d0, d1) -> (0)>
module attributes {stable_mosaic.version = 14 : i64} {
  func.func @body(%arg0: i32, %arg1: i32, %arg2: memref<2048x1024xf32, #tpu.memory_space<hbm>>, %arg3: memref<2048xi32, #tpu.memory_space<hbm>>, %arg4: memref<2048xi32, #tpu.memory_space<hbm>>, %arg5: memref<6144x1024xf32, #tpu.memory_space<hbm>>, %arg6: memref<64x1024xf32, #tpu.memory_space<vmem>>, %arg7: memref<64xi32, #tpu.memory_space<vmem>>, %arg8: memref<!tpu.dma_semaphore, #tpu.memory_space<semaphore_mem>>) attributes {dimension_semantics = [#tpu.dimension_semantics<core_parallel>, #tpu.dimension_semantics<subcore_parallel>], iteration_bounds = array<i64: 2, 16>, scalar_prefetch = 0 : i64, scratch_operands = 3 : i64, tpu.core_type = #tpu.core_type<sc_vector_subcore>, window_params = [{transform_indices = #map}, {transform_indices = #map1}, {transform_indices = #map1}, {transform_indices = #map}]} {
    %mul3A = arith.constant 2 : i32
    %mul3A_0 = arith.muli %arg1, %mul3A : i32
    %add3A = arith.addi %mul3A_0, %arg0 : i32
    %mul3A_1 = arith.constant 64 : i32
    %mul3A_2 = arith.muli %add3A, %mul3A_1 : i32
    "tpu.region"() ({
      %run_scoped3A = tpu.sem_alloc : memref<!tpu.dma_semaphore, #tpu.memory_space<semaphore_mem>>
      %dma_start3A_13 = arith.constant 0 : i32
      %dma_start3A_14 = tpu.memref_slice %arg2[%mul3A_2, %dma_start3A_13] : memref<2048x1024xf32, #tpu.memory_space<hbm>> -> memref<64x1024xf32, #tpu.memory_space<hbm>>
      %dma_start3A_15 = arith.constant 0 : i32
      %dma_start3A_16 = tpu.memref_slice %arg2[%mul3A_2, %dma_start3A_15] : memref<2048x1024xf32, #tpu.memory_space<hbm>> -> memref<64x1024xf32, #tpu.memory_space<hbm>>
      tpu.enqueue_dma source(%dma_start3A_16 : memref<64x1024xf32, #tpu.memory_space<hbm>>) target(%arg6 : memref<64x1024xf32, #tpu.memory_space<vmem>>) target_semaphore(%run_scoped3A : memref<!tpu.dma_semaphore, #tpu.memory_space<semaphore_mem>>)
      %dma_wait3A_17 = arith.constant 0 : i32
      %dma_wait3A_18 = tpu.memref_slice %arg2[%mul3A_2, %dma_wait3A_17] : memref<2048x1024xf32, #tpu.memory_space<hbm>> -> memref<64x1024xf32, #tpu.memory_space<hbm>>
      %dma_wait3A_19 = arith.constant 0 : i32
      %dma_wait3A_20 = tpu.memref_slice %arg2[%mul3A_2, %dma_wait3A_19] : memref<2048x1024xf32, #tpu.memory_space<hbm>> -> memref<64x1024xf32, #tpu.memory_space<hbm>>
      tpu.wait_dma2 semaphore(%run_scoped3A : memref<!tpu.dma_semaphore, #tpu.memory_space<semaphore_mem>>) src(%dma_wait3A_20 : memref<64x1024xf32, #tpu.memory_space<hbm>>) dst(%arg6 : memref<64x1024xf32, #tpu.memory_space<vmem>>)
      tpu.yield
    }) : () -> ()
    "tpu.region"() ({
      %run_scoped3A = tpu.sem_alloc : memref<!tpu.dma_semaphore, #tpu.memory_space<semaphore_mem>>
      %dma_start3A_13 = tpu.memref_slice %arg3[%mul3A_2] : memref<2048xi32, #tpu.memory_space<hbm>> -> memref<64xi32, #tpu.memory_space<hbm>>
      %dma_start3A_14 = tpu.memref_slice %arg3[%mul3A_2] : memref<2048xi32, #tpu.memory_space<hbm>> -> memref<64xi32, #tpu.memory_space<hbm>>
      tpu.enqueue_dma source(%dma_start3A_14 : memref<64xi32, #tpu.memory_space<hbm>>) target(%arg7 : memref<64xi32, #tpu.memory_space<vmem>>) target_semaphore(%run_scoped3A : memref<!tpu.dma_semaphore, #tpu.memory_space<semaphore_mem>>)
      %dma_wait3A_15 = tpu.memref_slice %arg3[%mul3A_2] : memref<2048xi32, #tpu.memory_space<hbm>> -> memref<64xi32, #tpu.memory_space<hbm>>
      %dma_wait3A_16 = tpu.memref_slice %arg3[%mul3A_2] : memref<2048xi32, #tpu.memory_space<hbm>> -> memref<64xi32, #tpu.memory_space<hbm>>
      tpu.wait_dma2 semaphore(%run_scoped3A : memref<!tpu.dma_semaphore, #tpu.memory_space<semaphore_mem>>) src(%dma_wait3A_16 : memref<64xi32, #tpu.memory_space<hbm>>) dst(%arg7 : memref<64xi32, #tpu.memory_space<vmem>>)
      tpu.yield
    }) : () -> ()
    %dma_start3A = arith.constant 0 : i32
    %dma_start3A_3 = arith.constant 0 : i32
    %dma_start3A_4 = tpu.memref_slice %arg5[%dma_start3A, %dma_start3A_3] : memref<6144x1024xf32, #tpu.memory_space<hbm>> -> memref<6144x1024xf32, #tpu.memory_space<hbm>>
    tpu.enqueue_indirect_dma source(%arg6 : memref<64x1024xf32, #tpu.memory_space<vmem>>) target(%dma_start3A_4 : memref<6144x1024xf32, #tpu.memory_space<hbm>>) offsets(%arg7 : memref<64xi32, #tpu.memory_space<vmem>>) semaphore(%arg8 : memref<!tpu.dma_semaphore, #tpu.memory_space<semaphore_mem>>)
    %dma_wait3A = arith.constant 0 : i32
    %dma_wait3A_5 = arith.constant 0 : i32
    %dma_wait3A_6 = tpu.memref_slice %arg5[%dma_wait3A, %dma_wait3A_5] : memref<6144x1024xf32, #tpu.memory_space<hbm>> -> memref<6144x1024xf32, #tpu.memory_space<hbm>>
    tpu.wait_indirect_dma semaphore(%arg8 : memref<!tpu.dma_semaphore, #tpu.memory_space<semaphore_mem>>) src(%arg6 : memref<64x1024xf32, #tpu.memory_space<vmem>>) dst(%dma_wait3A_6 : memref<6144x1024xf32, #tpu.memory_space<hbm>>)
    "tpu.region"() ({
      %run_scoped3A = tpu.sem_alloc : memref<!tpu.dma_semaphore, #tpu.memory_space<semaphore_mem>>
      %dma_start3A_13 = tpu.memref_slice %arg4[%mul3A_2] : memref<2048xi32, #tpu.memory_space<hbm>> -> memref<64xi32, #tpu.memory_space<hbm>>
      %dma_start3A_14 = tpu.memref_slice %arg4[%mul3A_2] : memref<2048xi32, #tpu.memory_space<hbm>> -> memref<64xi32, #tpu.memory_space<hbm>>
      tpu.enqueue_dma source(%dma_start3A_14 : memref<64xi32, #tpu.memory_space<hbm>>) target(%arg7 : memref<64xi32, #tpu.memory_space<vmem>>) target_semaphore(%run_scoped3A : memref<!tpu.dma_semaphore, #tpu.memory_space<semaphore_mem>>)
      %dma_wait3A_15 = tpu.memref_slice %arg4[%mul3A_2] : memref<2048xi32, #tpu.memory_space<hbm>> -> memref<64xi32, #tpu.memory_space<hbm>>
      %dma_wait3A_16 = tpu.memref_slice %arg4[%mul3A_2] : memref<2048xi32, #tpu.memory_space<hbm>> -> memref<64xi32, #tpu.memory_space<hbm>>
      tpu.wait_dma2 semaphore(%run_scoped3A : memref<!tpu.dma_semaphore, #tpu.memory_space<semaphore_mem>>) src(%dma_wait3A_16 : memref<64xi32, #tpu.memory_space<hbm>>) dst(%arg7 : memref<64xi32, #tpu.memory_space<vmem>>)
      tpu.yield
    }) : () -> ()
    %dma_start3A_7 = arith.constant 0 : i32
    %dma_start3A_8 = arith.constant 0 : i32
    %dma_start3A_9 = tpu.memref_slice %arg5[%dma_start3A_7, %dma_start3A_8] : memref<6144x1024xf32, #tpu.memory_space<hbm>> -> memref<6144x1024xf32, #tpu.memory_space<hbm>>
    tpu.enqueue_indirect_dma source(%arg6 : memref<64x1024xf32, #tpu.memory_space<vmem>>) target(%dma_start3A_9 : memref<6144x1024xf32, #tpu.memory_space<hbm>>) offsets(%arg7 : memref<64xi32, #tpu.memory_space<vmem>>) semaphore(%arg8 : memref<!tpu.dma_semaphore, #tpu.memory_space<semaphore_mem>>)
    %dma_wait3A_10 = arith.constant 0 : i32
    %dma_wait3A_11 = arith.constant 0 : i32
    %dma_wait3A_12 = tpu.memref_slice %arg5[%dma_wait3A_10, %dma_wait3A_11] : memref<6144x1024xf32, #tpu.memory_space<hbm>> -> memref<6144x1024xf32, #tpu.memory_space<hbm>>
    tpu.wait_indirect_dma semaphore(%arg8 : memref<!tpu.dma_semaphore, #tpu.memory_space<semaphore_mem>>) src(%arg6 : memref<64x1024xf32, #tpu.memory_space<vmem>>) dst(%dma_wait3A_12 : memref<6144x1024xf32, #tpu.memory_space<hbm>>)
    return
  }
}

module attributes {stable_mosaic.version = 14 : i64} {
  func.func @_router_body(%arg0: i32, %arg1: memref<256x1024xf32, #tpu.memory_space<vmem>>, %arg2: memref<1x1024xf32, #tpu.memory_space<vmem>>, %arg3: memref<1024x8xf32, #tpu.memory_space<vmem>>, %arg4: memref<1x8xf32, #tpu.memory_space<vmem>>, %arg5: memref<256x1024xf32, #tpu.memory_space<vmem>>, %arg6: memref<256x2xf32, #tpu.memory_space<vmem>>, %arg7: memref<2048x2xi32, #tpu.memory_space<vmem>>, %arg8: memref<24x1xi32, #tpu.memory_space<vmem>>, %arg9: memref<1x1xi32, #tpu.memory_space<vmem>>, %arg10: memref<2048x4xi32, #tpu.memory_space<vmem>>, %arg11: memref<1x8xf32, #tpu.memory_space<vmem>>, %arg12: memref<256x256xf32, #tpu.memory_space<vmem>>) attributes {dimension_semantics = [#tpu.dimension_semantics<arbitrary>], iteration_bounds = array<i64: 8>, scalar_prefetch = 0 : i64, scratch_operands = 3 : i64, tpu.core_type = #tpu.core_type<tc>, window_params = [{transform_indices = @transform_0, window_bounds = array<i64: 256, 1024>}, {pipeline_mode = #tpu.pipeline_mode<synchronous>, transform_indices = @transform_1, window_bounds = array<i64: 1, 1024>}, {pipeline_mode = #tpu.pipeline_mode<synchronous>, transform_indices = @transform_2, window_bounds = array<i64: 1024, 8>}, {pipeline_mode = #tpu.pipeline_mode<synchronous>, transform_indices = @transform_3, window_bounds = array<i64: 1, 8>}, {transform_indices = @transform_4, window_bounds = array<i64: 256, 1024>}, {transform_indices = @transform_5, window_bounds = array<i64: 256, 2>}, {pipeline_mode = #tpu.pipeline_mode<synchronous>, transform_indices = @transform_6, window_bounds = array<i64: 2048, 2>}, {pipeline_mode = #tpu.pipeline_mode<synchronous>, transform_indices = @transform_7, window_bounds = array<i64: 24, 1>}, {pipeline_mode = #tpu.pipeline_mode<synchronous>, transform_indices = @transform_8, window_bounds = array<i64: 1, 1>}]} {
    %eq3A = arith.constant 0 : i32
    %eq3A_0 = arith.cmpi eq, %arg0, %eq3A : i32
    %convert_element_type3A = arith.extui %eq3A_0 : i1 to i32
    %cond3A = arith.constant 0 : i32
    %cond3A_1 = arith.cmpi ne, %convert_element_type3A, %cond3A : i32
    scf.if %cond3A_1 {
      %broadcast_in_dim3A_114 = arith.constant 0.000000e+00 : f32
      %broadcast_in_dim3A_115 = vector.broadcast %broadcast_in_dim3A_114 : f32 to vector<1x8xf32>
      %swap3A_116 = arith.constant 0 : index
      %swap3A_117 = arith.constant 0 : index
      %swap3A_118 = vector.load %arg11[%swap3A_116, %swap3A_117] : memref<1x8xf32, #tpu.memory_space<vmem>>, vector<1x8xf32>
      tpu.vector_store %arg11[%swap3A_116, %swap3A_117], %broadcast_in_dim3A_115 {strides = array<i32>} : memref<1x8xf32, #tpu.memory_space<vmem>>, vector<1x8xf32>,
      %iota3A_119 = tpu.iota {dimensions = array<i32: 0>} : vector<256x256xi32>
      %iota3A_120 = tpu.iota {dimensions = array<i32: 1>} : vector<256x256xi32>
      %gt3A = arith.cmpi sgt, %iota3A_119, %iota3A_120 : vector<256x256xi32>
      %convert_element_type3A_121 = arith.extui %gt3A : vector<256x256xi1> to vector<256x256xi32>
      %convert_element_type3A_122 = arith.sitofp %convert_element_type3A_121 : vector<256x256xi32> to vector<256x256xf32>
      %swap3A_123 = arith.constant 0 : index
      %swap3A_124 = arith.constant 0 : index
      %swap3A_125 = vector.load %arg12[%swap3A_123, %swap3A_124] : memref<256x256xf32, #tpu.memory_space<vmem>>, vector<256x256xf32>
      tpu.vector_store %arg12[%swap3A_123, %swap3A_124], %convert_element_type3A_122 {strides = array<i32>} : memref<256x256xf32, #tpu.memory_space<vmem>>, vector<256x256xf32>,
    } else {
    }
    %get3A = arith.constant 0 : index
    %get3A_2 = arith.constant 0 : index
    %get3A_3 = vector.load %arg1[%get3A, %get3A_2] : memref<256x1024xf32, #tpu.memory_space<vmem>>, vector<256x1024xf32>
    %mul3A = arith.mulf %get3A_3, %get3A_3 : vector<256x1024xf32>
    %reduce_sum3A = arith.constant dense<0.000000e+00> : vector<256xf32>
    %reduce_sum3A_4 = vector.multi_reduction <add>, %mul3A, %reduce_sum3A [1] : vector<256x1024xf32> to vector<256xf32>
    %broadcast_in_dim3A = vector.shape_cast %reduce_sum3A_4 : vector<256xf32> to vector<256x1xf32>
    %div3A = arith.constant 1.024000e+03 : f32
    %div3A_5 = vector.broadcast %div3A : f32 to vector<256x1xf32>
    %div3A_6 = arith.divf %broadcast_in_dim3A, %div3A_5 : vector<256x1xf32>
    %add3A = arith.constant 9.99999974E-6 : f32
    %add3A_7 = vector.broadcast %add3A : f32 to vector<256x1xf32>
    %add3A_8 = arith.addf %div3A_6, %add3A_7 : vector<256x1xf32>
    %sqrt3A = math.sqrt %add3A_8 : vector<256x1xf32>
    %div3A_9 = vector.broadcast %sqrt3A : vector<256x1xf32> to vector<256x1024xf32>
    %div3A_10 = arith.divf %get3A_3, %div3A_9 : vector<256x1024xf32>
    %get3A_11 = arith.constant 0 : index
    %get3A_12 = arith.constant 0 : index
    %get3A_13 = vector.load %arg2[%get3A_11, %get3A_12] : memref<1x1024xf32, #tpu.memory_space<vmem>>, vector<1x1024xf32>
    %get3A_14 = vector.shape_cast %get3A_13 : vector<1x1024xf32> to vector<1024xf32>
    %broadcast_in_dim3A_15 = vector.shape_cast %get3A_14 : vector<1024xf32> to vector<1x1024xf32>
    %mul3A_16 = vector.broadcast %broadcast_in_dim3A_15 : vector<1x1024xf32> to vector<256x1024xf32>
    %mul3A_17 = arith.mulf %div3A_10, %mul3A_16 : vector<256x1024xf32>
    %swap3A = arith.constant 0 : index
    %swap3A_18 = arith.constant 0 : index
    %swap3A_19 = vector.load %arg5[%swap3A, %swap3A_18] : memref<256x1024xf32, #tpu.memory_space<vmem>>, vector<256x1024xf32>
    tpu.vector_store %arg5[%swap3A, %swap3A_18], %mul3A_17 {strides = array<i32>} : memref<256x1024xf32, #tpu.memory_space<vmem>>, vector<256x1024xf32>,
    %get3A_20 = arith.constant 0 : index
    %get3A_21 = arith.constant 0 : index
    %get3A_22 = vector.load %arg3[%get3A_20, %get3A_21] : memref<1024x8xf32, #tpu.memory_space<vmem>>, vector<1024x8xf32>
    %dot_general3A = arith.constant dense<0.000000e+00> : vector<256x8xf32>
    %dot_general3A_23 = tpu.matmul %mul3A_17, %get3A_22, %dot_general3A {dimension_numbers = #tpu.dot_dimension_numbers<[1], [0], [0], [1], [0, 0, 1, 1], [], []>, transpose_lhs_hint = false} : vector<256x1024xf32>, vector<1024x8xf32>, vector<256x8xf32> -> vector<256x8xf32>
    %get3A_24 = arith.constant 0 : index
    %get3A_25 = arith.constant 0 : index
    %get3A_26 = vector.load %arg4[%get3A_24, %get3A_25] : memref<1x8xf32, #tpu.memory_space<vmem>>, vector<1x8xf32>
    %get3A_27 = vector.shape_cast %get3A_26 : vector<1x8xf32> to vector<8xf32>
    %broadcast_in_dim3A_28 = vector.shape_cast %get3A_27 : vector<8xf32> to vector<1x8xf32>
    %add3A_29 = vector.broadcast %broadcast_in_dim3A_28 : vector<1x8xf32> to vector<256x8xf32>
    %add3A_30 = arith.addf %dot_general3A_23, %add3A_29 : vector<256x8xf32>
    %iota3A = tpu.iota {dimensions = array<i32: 1>} : vector<256x8xi32>
    %reduce_max3A = arith.constant dense<0xFF800000> : vector<256xf32>
    %reduce_max3A_31 = vector.multi_reduction <maximumf>, %add3A_30, %reduce_max3A [1] : vector<256x8xf32> to vector<256xf32>
    %broadcast_in_dim3A_32 = vector.shape_cast %reduce_max3A_31 : vector<256xf32> to vector<256x1xf32>
    %eq3A_33 = vector.broadcast %broadcast_in_dim3A_32 : vector<256x1xf32> to vector<256x8xf32>
    %eq3A_34 = arith.cmpf oeq, %add3A_30, %eq3A_33 : vector<256x8xf32>
    %jit3A = arith.constant 8 : i32
    %broadcast_in_dim3A_35 = vector.broadcast %jit3A : i32 to vector<256x8xi32>
    %select_n3A = arith.select %eq3A_34, %iota3A, %broadcast_in_dim3A_35 : vector<256x8xi1>, vector<256x8xi32>
    %reduce_min3A = arith.constant dense<2147483647> : vector<256xi32>
    %reduce_min3A_36 = vector.multi_reduction <minsi>, %select_n3A, %reduce_min3A [1] : vector<256x8xi32> to vector<256xi32>
    %broadcast_in_dim3A_37 = vector.shape_cast %reduce_min3A_36 : vector<256xi32> to vector<256x1xi32>
    %eq3A_38 = vector.broadcast %broadcast_in_dim3A_37 : vector<256x1xi32> to vector<256x8xi32>
    %eq3A_39 = arith.cmpi eq, %iota3A, %eq3A_38 : vector<256x8xi32>
    %jit3A_40 = arith.constant 0xFF800000 : f32
    %broadcast_in_dim3A_41 = vector.broadcast %jit3A_40 : f32 to vector<256x8xf32>
    %select_n3A_42 = arith.select %eq3A_39, %broadcast_in_dim3A_41, %add3A_30 : vector<256x8xi1>, vector<256x8xf32>
    %reduce_max3A_43 = arith.constant dense<0xFF800000> : vector<256xf32>
    %reduce_max3A_44 = vector.multi_reduction <maximumf>, %select_n3A_42, %reduce_max3A_43 [1] : vector<256x8xf32> to vector<256xf32>
    %broadcast_in_dim3A_45 = vector.shape_cast %reduce_max3A_44 : vector<256xf32> to vector<256x1xf32>
    %eq3A_46 = vector.broadcast %broadcast_in_dim3A_45 : vector<256x1xf32> to vector<256x8xf32>
    %eq3A_47 = arith.cmpf oeq, %select_n3A_42, %eq3A_46 : vector<256x8xf32>
    %jit3A_48 = arith.constant 8 : i32
    %broadcast_in_dim3A_49 = vector.broadcast %jit3A_48 : i32 to vector<256x8xi32>
    %select_n3A_50 = arith.select %eq3A_47, %iota3A, %broadcast_in_dim3A_49 : vector<256x8xi1>, vector<256x8xi32>
    %reduce_min3A_51 = arith.constant dense<2147483647> : vector<256xi32>
    %reduce_min3A_52 = vector.multi_reduction <minsi>, %select_n3A_50, %reduce_min3A_51 [1] : vector<256x8xi32> to vector<256xi32>
    %broadcast_in_dim3A_53 = vector.shape_cast %reduce_min3A_52 : vector<256xi32> to vector<256x1xi32>
    %sub3A = arith.subf %broadcast_in_dim3A_45, %broadcast_in_dim3A_32 : vector<256x1xf32>
    %exp3A = math.exp %sub3A : vector<256x1xf32>
    %add3A_54 = arith.constant 1.000000e+00 : f32
    %add3A_55 = vector.broadcast %add3A_54 : f32 to vector<256x1xf32>
    %add3A_56 = arith.addf %add3A_55, %exp3A : vector<256x1xf32>
    %div3A_57 = arith.constant 1.000000e+00 : f32
    %div3A_58 = vector.broadcast %div3A_57 : f32 to vector<256x1xf32>
    %div3A_59 = arith.divf %div3A_58, %add3A_56 : vector<256x1xf32>
    %div3A_60 = arith.divf %exp3A, %add3A_56 : vector<256x1xf32>
    %eq3A_61 = vector.broadcast %broadcast_in_dim3A_37 : vector<256x1xi32> to vector<256x8xi32>
    %eq3A_62 = arith.cmpi eq, %iota3A, %eq3A_61 : vector<256x8xi32>
    %convert_element_type3A_63 = arith.extui %eq3A_62 : vector<256x8xi1> to vector<256x8xi32>
    %convert_element_type3A_64 = arith.sitofp %convert_element_type3A_63 : vector<256x8xi32> to vector<256x8xf32>
    %eq3A_65 = vector.broadcast %broadcast_in_dim3A_53 : vector<256x1xi32> to vector<256x8xi32>
    %eq3A_66 = arith.cmpi eq, %iota3A, %eq3A_65 : vector<256x8xi32>
    %convert_element_type3A_67 = arith.extui %eq3A_66 : vector<256x8xi1> to vector<256x8xi32>
    %convert_element_type3A_68 = arith.sitofp %convert_element_type3A_67 : vector<256x8xi32> to vector<256x8xf32>
    %add3A_69 = arith.addf %convert_element_type3A_64, %convert_element_type3A_68 : vector<256x8xf32>
    %get3A_70 = arith.constant 0 : index
    %get3A_71 = arith.constant 0 : index
    %get3A_72 = vector.load %arg12[%get3A_70, %get3A_71] : memref<256x256xf32, #tpu.memory_space<vmem>>, vector<256x256xf32>
    %dot_general3A_73 = arith.constant dense<0.000000e+00> : vector<256x8xf32>
    %dot_general3A_74 = tpu.matmul %get3A_72, %add3A_69, %dot_general3A_73 {dimension_numbers = #tpu.dot_dimension_numbers<[1], [0], [0], [1], [0, 0, 1, 1], [], []>, transpose_lhs_hint = false} : vector<256x256xf32>, vector<256x8xf32>, vector<256x8xf32> -> vector<256x8xf32>
    %get3A_75 = arith.constant 0 : index
    %get3A_76 = arith.constant 0 : index
    %get3A_77 = vector.load %arg11[%get3A_75, %get3A_76] : memref<1x8xf32, #tpu.memory_space<vmem>>, vector<1x8xf32>
    %add3A_78 = vector.broadcast %get3A_77 : vector<1x8xf32> to vector<256x8xf32>
    %add3A_79 = arith.addf %dot_general3A_74, %add3A_78 : vector<256x8xf32>
    %mul3A_80 = arith.mulf %convert_element_type3A_64, %add3A_79 : vector<256x8xf32>
    %reduce_sum3A_81 = arith.constant dense<0.000000e+00> : vector<256xf32>
    %reduce_sum3A_82 = vector.multi_reduction <add>, %mul3A_80, %reduce_sum3A_81 [1] : vector<256x8xf32> to vector<256xf32>
    %broadcast_in_dim3A_83 = vector.shape_cast %reduce_sum3A_82 : vector<256xf32> to vector<256x1xf32>
    %mul3A_84 = arith.mulf %convert_element_type3A_68, %add3A_79 : vector<256x8xf32>
    %reduce_sum3A_85 = arith.constant dense<0.000000e+00> : vector<256xf32>
    %reduce_sum3A_86 = vector.multi_reduction <add>, %mul3A_84, %reduce_sum3A_85 [1] : vector<256x8xf32> to vector<256xf32>
    %broadcast_in_dim3A_87 = vector.shape_cast %reduce_sum3A_86 : vector<256xf32> to vector<256x1xf32>
    %convert_element_type3A_88 = arith.fptosi %broadcast_in_dim3A_83 : vector<256x1xf32> to vector<256x1xi32>
    %convert_element_type3A_89 = arith.fptosi %broadcast_in_dim3A_87 : vector<256x1xf32> to vector<256x1xi32>
    %concatenate3A = tpu.concatenate %broadcast_in_dim3A_37, %broadcast_in_dim3A_53, %convert_element_type3A_88, %convert_element_type3A_89 in 1 : vector<256x1xi32>, vector<256x1xi32>, vector<256x1xi32>, vector<256x1xi32> -> vector<256x4xi32>
    %mul3A_90 = arith.constant 256 : i32
    %mul3A_91 = arith.muli %arg0, %mul3A_90 : i32
    %swap3A_92 = arith.index_cast %mul3A_91 : i32 to index
    %swap3A_93 = arith.constant 0 : index
    %swap3A_94 = vector.load %arg10[%swap3A_92, %swap3A_93] : memref<2048x4xi32, #tpu.memory_space<vmem>>, vector<256x4xi32>
    tpu.vector_store %arg10[%swap3A_92, %swap3A_93], %concatenate3A {strides = array<i32>} : memref<2048x4xi32, #tpu.memory_space<vmem>>, vector<256x4xi32>,
    %concatenate3A_95 = tpu.concatenate %div3A_59, %div3A_60 in 1 : vector<256x1xf32>, vector<256x1xf32> -> vector<256x2xf32>
    %swap3A_96 = arith.constant 0 : index
    %swap3A_97 = arith.constant 0 : index
    %swap3A_98 = vector.load %arg6[%swap3A_96, %swap3A_97] : memref<256x2xf32, #tpu.memory_space<vmem>>, vector<256x2xf32>
    tpu.vector_store %arg6[%swap3A_96, %swap3A_97], %concatenate3A_95 {strides = array<i32>} : memref<256x2xf32, #tpu.memory_space<vmem>>, vector<256x2xf32>,
    %get3A_99 = arith.constant 0 : index
    %get3A_100 = arith.constant 0 : index
    %get3A_101 = vector.load %arg11[%get3A_99, %get3A_100] : memref<1x8xf32, #tpu.memory_space<vmem>>, vector<1x8xf32>
    %reduce_sum3A_102 = arith.constant dense<0.000000e+00> : vector<8xf32>
    %reduce_sum3A_103 = vector.multi_reduction <add>, %add3A_69, %reduce_sum3A_102 [0] : vector<256x8xf32> to vector<8xf32>
    %broadcast_in_dim3A_104 = vector.shape_cast %reduce_sum3A_103 : vector<8xf32> to vector<1x8xf32>
    %add3A_105 = arith.addf %get3A_101, %broadcast_in_dim3A_104 : vector<1x8xf32>
    %swap3A_106 = arith.constant 0 : index
    %swap3A_107 = arith.constant 0 : index
    %swap3A_108 = vector.load %arg11[%swap3A_106, %swap3A_107] : memref<1x8xf32, #tpu.memory_space<vmem>>, vector<1x8xf32>
    tpu.vector_store %arg11[%swap3A_106, %swap3A_107], %add3A_105 {strides = array<i32>} : memref<1x8xf32, #tpu.memory_space<vmem>>, vector<1x8xf32>,
    %eq3A_109 = arith.constant 7 : i32
    %eq3A_110 = arith.cmpi eq, %arg0, %eq3A_109 : i32
    %convert_element_type3A_111 = arith.extui %eq3A_110 : i1 to i32
    %cond3A_112 = arith.constant 0 : i32
    %cond3A_113 = arith.cmpi ne, %convert_element_type3A_111, %cond3A_112 : i32
    scf.if %cond3A_113 {
      %get3A_114 = arith.constant 0 : index
      %get3A_115 = arith.constant 0 : index
      %get3A_116 = vector.load %arg11[%get3A_114, %get3A_115] : memref<1x8xf32, #tpu.memory_space<vmem>>, vector<1x8xf32>
      %add3A_117 = arith.constant 2.550000e+02 : f32
      %add3A_118 = vector.broadcast %add3A_117 : f32 to vector<1x8xf32>
      %add3A_119 = arith.addf %get3A_116, %add3A_118 : vector<1x8xf32>
      %mul3A_120 = arith.constant 3.906250e-03 : f32
      %mul3A_121 = vector.broadcast %mul3A_120 : f32 to vector<1x8xf32>
      %mul3A_122 = arith.mulf %add3A_119, %mul3A_121 : vector<1x8xf32>
      %floor3A = math.floor %mul3A_122 : vector<1x8xf32>
      %iota3A_123 = tpu.iota {dimensions = array<i32: 0>} : vector<8x8xi32>
      %iota3A_124 = tpu.iota {dimensions = array<i32: 1>} : vector<8x8xi32>
      %lt3A = arith.cmpi slt, %iota3A_123, %iota3A_124 : vector<8x8xi32>
      %convert_element_type3A_125 = arith.extui %lt3A : vector<8x8xi1> to vector<8x8xi32>
      %convert_element_type3A_126 = arith.sitofp %convert_element_type3A_125 : vector<8x8xi32> to vector<8x8xf32>
      %dot_general3A_127 = arith.constant dense<0.000000e+00> : vector<1x8xf32>
      %dot_general3A_128 = tpu.matmul %floor3A, %convert_element_type3A_126, %dot_general3A_127 {dimension_numbers = #tpu.dot_dimension_numbers<[1], [0], [0], [1], [0, 0, 1, 1], [], []>, transpose_lhs_hint = false} : vector<1x8xf32>, vector<8x8xf32>, vector<1x8xf32> -> vector<1x8xf32>
      %mul3A_129 = arith.constant 2.560000e+02 : f32
      %mul3A_130 = vector.broadcast %mul3A_129 : f32 to vector<1x8xf32>
      %mul3A_131 = arith.mulf %dot_general3A_128, %mul3A_130 : vector<1x8xf32>
      %get3A_132 = arith.constant 0 : index
      %get3A_133 = arith.constant 0 : index
      %get3A_134 = vector.load %arg10[%get3A_132, %get3A_133] : memref<2048x4xi32, #tpu.memory_space<vmem>>, vector<2048x1xi32>
      %get3A_135 = arith.constant 0 : index
      %get3A_136 = arith.constant 1 : index
      %get3A_137 = vector.load %arg10[%get3A_135, %get3A_136] : memref<2048x4xi32, #tpu.memory_space<vmem>>, vector<2048x1xi32>
      %get3A_138 = arith.constant 0 : index
      %get3A_139 = arith.constant 2 : index
      %get3A_140 = vector.load %arg10[%get3A_138, %get3A_139] : memref<2048x4xi32, #tpu.memory_space<vmem>>, vector<2048x1xi32>
      %get3A_141 = arith.constant 0 : index
      %get3A_142 = arith.constant 3 : index
      %get3A_143 = vector.load %arg10[%get3A_141, %get3A_142] : memref<2048x4xi32, #tpu.memory_space<vmem>>, vector<2048x1xi32>
      %iota3A_144 = tpu.iota {dimensions = array<i32: 1>} : vector<2048x8xi32>
      %eq3A_145 = vector.broadcast %get3A_134 : vector<2048x1xi32> to vector<2048x8xi32>
      %eq3A_146 = arith.cmpi eq, %iota3A_144, %eq3A_145 : vector<2048x8xi32>
      %convert_element_type3A_147 = arith.extui %eq3A_146 : vector<2048x8xi1> to vector<2048x8xi32>
      %convert_element_type3A_148 = arith.sitofp %convert_element_type3A_147 : vector<2048x8xi32> to vector<2048x8xf32>
      %eq3A_149 = vector.broadcast %get3A_137 : vector<2048x1xi32> to vector<2048x8xi32>
      %eq3A_150 = arith.cmpi eq, %iota3A_144, %eq3A_149 : vector<2048x8xi32>
      %convert_element_type3A_151 = arith.extui %eq3A_150 : vector<2048x8xi1> to vector<2048x8xi32>
      %convert_element_type3A_152 = arith.sitofp %convert_element_type3A_151 : vector<2048x8xi32> to vector<2048x8xf32>
      %mul3A_153 = vector.broadcast %mul3A_131 : vector<1x8xf32> to vector<2048x8xf32>
      %mul3A_154 = arith.mulf %convert_element_type3A_148, %mul3A_153 : vector<2048x8xf32>
      %reduce_sum3A_155 = arith.constant dense<0.000000e+00> : vector<2048xf32>
      %reduce_sum3A_156 = vector.multi_reduction <add>, %mul3A_154, %reduce_sum3A_155 [1] : vector<2048x8xf32> to vector<2048xf32>
      %broadcast_in_dim3A_157 = vector.shape_cast %reduce_sum3A_156 : vector<2048xf32> to vector<2048x1xf32>
      %convert_element_type3A_158 = arith.fptosi %broadcast_in_dim3A_157 : vector<2048x1xf32> to vector<2048x1xi32>
      %add3A_159 = arith.addi %convert_element_type3A_158, %get3A_140 : vector<2048x1xi32>
      %mul3A_160 = vector.broadcast %mul3A_131 : vector<1x8xf32> to vector<2048x8xf32>
      %mul3A_161 = arith.mulf %convert_element_type3A_152, %mul3A_160 : vector<2048x8xf32>
      %reduce_sum3A_162 = arith.constant dense<0.000000e+00> : vector<2048xf32>
      %reduce_sum3A_163 = vector.multi_reduction <add>, %mul3A_161, %reduce_sum3A_162 [1] : vector<2048x8xf32> to vector<2048xf32>
      %broadcast_in_dim3A_164 = vector.shape_cast %reduce_sum3A_163 : vector<2048xf32> to vector<2048x1xf32>
      %convert_element_type3A_165 = arith.fptosi %broadcast_in_dim3A_164 : vector<2048x1xf32> to vector<2048x1xi32>
      %add3A_166 = arith.addi %convert_element_type3A_165, %get3A_143 : vector<2048x1xi32>
      %concatenate3A_167 = tpu.concatenate %add3A_159, %add3A_166 in 1 : vector<2048x1xi32>, vector<2048x1xi32> -> vector<2048x2xi32>
      %swap3A_168 = arith.constant 0 : index
      %swap3A_169 = arith.constant 0 : index
      %swap3A_170 = vector.load %arg7[%swap3A_168, %swap3A_169] : memref<2048x2xi32, #tpu.memory_space<vmem>>, vector<2048x2xi32>
      tpu.vector_store %arg7[%swap3A_168, %swap3A_169], %concatenate3A_167 {strides = array<i32>} : memref<2048x2xi32, #tpu.memory_space<vmem>>, vector<2048x2xi32>,
      %iota3A_171 = tpu.iota {dimensions = array<i32: 0>} : vector<24x8xi32>
      %convert_element_type3A_172 = arith.sitofp %iota3A_171 : vector<24x8xi32> to vector<24x8xf32>
      %ge3A = vector.broadcast %dot_general3A_128 : vector<1x8xf32> to vector<24x8xf32>
      %ge3A_173 = arith.cmpf oge, %convert_element_type3A_172, %ge3A : vector<24x8xf32>
      %add3A_174 = arith.addf %dot_general3A_128, %floor3A : vector<1x8xf32>
      %lt3A_175 = vector.broadcast %add3A_174 : vector<1x8xf32> to vector<24x8xf32>
      %lt3A_176 = arith.cmpf olt, %convert_element_type3A_172, %lt3A_175 : vector<24x8xf32>
      %and3A = arith.andi %ge3A_173, %lt3A_176 : vector<24x8xi1>
      %jit3A_177 = arith.constant 1.000000e+00 : f32
      %jit3A_178 = arith.constant 0.000000e+00 : f32
      %broadcast_in_dim3A_179 = vector.broadcast %jit3A_177 : f32 to vector<24x8xf32>
      %broadcast_in_dim3A_180 = vector.broadcast %jit3A_178 : f32 to vector<24x8xf32>
      %select_n3A_181 = arith.select %and3A, %broadcast_in_dim3A_179, %broadcast_in_dim3A_180 : vector<24x8xi1>, vector<24x8xf32>
      %iota3A_182 = tpu.iota {dimensions = array<i32: 1>} : vector<24x8xi32>
      %convert_element_type3A_183 = arith.sitofp %iota3A_182 : vector<24x8xi32> to vector<24x8xf32>
      %mul3A_184 = arith.mulf %select_n3A_181, %convert_element_type3A_183 : vector<24x8xf32>
      %reduce_sum3A_185 = arith.constant dense<0.000000e+00> : vector<24xf32>
      %reduce_sum3A_186 = vector.multi_reduction <add>, %mul3A_184, %reduce_sum3A_185 [1] : vector<24x8xf32> to vector<24xf32>
      %broadcast_in_dim3A_187 = vector.shape_cast %reduce_sum3A_186 : vector<24xf32> to vector<24x1xf32>
      %reduce_sum3A_188 = arith.constant dense<0.000000e+00> : vector<24xf32>
      %reduce_sum3A_189 = vector.multi_reduction <add>, %select_n3A_181, %reduce_sum3A_188 [1] : vector<24x8xf32> to vector<24xf32>
      %broadcast_in_dim3A_190 = vector.shape_cast %reduce_sum3A_189 : vector<24xf32> to vector<24x1xf32>
      %sub3A_191 = arith.constant 1.000000e+00 : f32
      %sub3A_192 = vector.broadcast %sub3A_191 : f32 to vector<24x1xf32>
      %sub3A_193 = arith.subf %sub3A_192, %broadcast_in_dim3A_190 : vector<24x1xf32>
      %mul3A_194 = arith.constant 7.000000e+00 : f32
      %mul3A_195 = vector.broadcast %mul3A_194 : f32 to vector<24x1xf32>
      %mul3A_196 = arith.mulf %sub3A_193, %mul3A_195 : vector<24x1xf32>
      %add3A_197 = arith.addf %broadcast_in_dim3A_187, %mul3A_196 : vector<24x1xf32>
      %convert_element_type3A_198 = arith.fptosi %add3A_197 : vector<24x1xf32> to vector<24x1xi32>
      %swap3A_199 = arith.constant 0 : index
      %swap3A_200 = arith.constant 0 : index
      %swap3A_201 = vector.load %arg8[%swap3A_199, %swap3A_200] : memref<24x1xi32, #tpu.memory_space<vmem>>, vector<24x1xi32>
      tpu.vector_store %arg8[%swap3A_199, %swap3A_200], %convert_element_type3A_198 {strides = array<i32>} : memref<24x1xi32, #tpu.memory_space<vmem>>, vector<24x1xi32>,
      %reduce_sum3A_202 = arith.constant dense<0.000000e+00> : vector<1xf32>
      %reduce_sum3A_203 = vector.multi_reduction <add>, %floor3A, %reduce_sum3A_202 [1] : vector<1x8xf32> to vector<1xf32>
      %broadcast_in_dim3A_204 = vector.shape_cast %reduce_sum3A_203 : vector<1xf32> to vector<1x1xf32>
      %convert_element_type3A_205 = arith.fptosi %broadcast_in_dim3A_204 : vector<1x1xf32> to vector<1x1xi32>
      %swap3A_206 = arith.constant 0 : index
      %swap3A_207 = arith.constant 0 : index
      %swap3A_208 = vector.load %arg9[%swap3A_206, %swap3A_207] : memref<1x1xi32, #tpu.memory_space<vmem>>, vector<1x1xi32>
      tpu.vector_store %arg9[%swap3A_206, %swap3A_207], %convert_element_type3A_205 {strides = array<i32>} : memref<1x1xi32, #tpu.memory_space<vmem>>, vector<1x1xi32>,
    } else {
    }
    return
  }
  func.func @transform_0(%arg0: i32) -> (i32, i32) {
    %c0_i32 = arith.constant 0 : i32
    %c0_i32_0 = arith.constant 0 : i32
    return %arg0, %c0_i32 : i32, i32
  }
  func.func @transform_1(%arg0: i32) -> (i32, i32) {
    %c0_i32 = arith.constant 0 : i32
    %c0_i32_0 = arith.constant 0 : i32
    %c0_i32_1 = arith.constant 0 : i32
    return %c0_i32, %c0_i32_0 : i32, i32
  }
  func.func @transform_2(%arg0: i32) -> (i32, i32) {
    %c0_i32 = arith.constant 0 : i32
    %c0_i32_0 = arith.constant 0 : i32
    %c0_i32_1 = arith.constant 0 : i32
    return %c0_i32, %c0_i32_0 : i32, i32
  }
  func.func @transform_3(%arg0: i32) -> (i32, i32) {
    %c0_i32 = arith.constant 0 : i32
    %c0_i32_0 = arith.constant 0 : i32
    %c0_i32_1 = arith.constant 0 : i32
    return %c0_i32, %c0_i32_0 : i32, i32
  }
  func.func @transform_4(%arg0: i32) -> (i32, i32) {
    %c0_i32 = arith.constant 0 : i32
    %c0_i32_0 = arith.constant 0 : i32
    return %arg0, %c0_i32 : i32, i32
  }
  func.func @transform_5(%arg0: i32) -> (i32, i32) {
    %c0_i32 = arith.constant 0 : i32
    %c0_i32_0 = arith.constant 0 : i32
    return %arg0, %c0_i32 : i32, i32
  }
  func.func @transform_6(%arg0: i32) -> (i32, i32) {
    %c0_i32 = arith.constant 0 : i32
    %c0_i32_0 = arith.constant 0 : i32
    %c0_i32_1 = arith.constant 0 : i32
    return %c0_i32, %c0_i32_0 : i32, i32
  }
  func.func @transform_7(%arg0: i32) -> (i32, i32) {
    %c0_i32 = arith.constant 0 : i32
    %c0_i32_0 = arith.constant 0 : i32
    %c0_i32_1 = arith.constant 0 : i32
    return %c0_i32, %c0_i32_0 : i32, i32
  }
  func.func @transform_8(%arg0: i32) -> (i32, i32) {
    %c0_i32 = arith.constant 0 : i32
    %c0_i32_0 = arith.constant 0 : i32
    %c0_i32_1 = arith.constant 0 : i32
    return %c0_i32, %c0_i32_0 : i32, i32
  }
}

module attributes {stable_mosaic.version = 14 : i64} {
  func.func @_expert_body(%arg0: i32, %arg1: memref<24x1xi32, #tpu.memory_space<smem>>, %arg2: memref<1x1xi32, #tpu.memory_space<smem>>, %arg3: memref<256x1024xf32, #tpu.memory_space<vmem>>, %arg4: memref<1x2048x1024xf32, #tpu.memory_space<vmem>>, %arg5: memref<1x1x2048xf32, #tpu.memory_space<vmem>>, %arg6: memref<1x1024x1024xf32, #tpu.memory_space<vmem>>, %arg7: memref<1x1x1024xf32, #tpu.memory_space<vmem>>, %arg8: memref<256x1024xf32, #tpu.memory_space<vmem>>) attributes {dimension_semantics = [#tpu.dimension_semantics<arbitrary>], iteration_bounds = array<i64: 24>, scalar_prefetch = 2 : i64, scratch_operands = 0 : i64, tpu.core_type = #tpu.core_type<tc>, window_params = [{transform_indices = @transform_0, window_bounds = array<i64: 256, 1024>}, {transform_indices = @transform_1, window_bounds = array<i64: 1, 2048, 1024>}, {transform_indices = @transform_2, window_bounds = array<i64: 1, 1, 2048>}, {transform_indices = @transform_3, window_bounds = array<i64: 1, 1024, 1024>}, {transform_indices = @transform_4, window_bounds = array<i64: 1, 1, 1024>}, {transform_indices = @transform_5, window_bounds = array<i64: 256, 1024>}]} {
    %get3A = arith.constant 0 : index
    %get3A_0 = arith.constant 0 : index
    %get3A_1 = memref.load %arg2[%get3A, %get3A_0] : memref<1x1xi32, #tpu.memory_space<smem>>
    %lt3A = arith.cmpi slt, %arg0, %get3A_1 : i32
    %convert_element_type3A = arith.extui %lt3A : i1 to i32
    %cond3A = arith.constant 0 : i32
    %cond3A_2 = arith.cmpi ne, %convert_element_type3A, %cond3A : i32
    scf.if %cond3A_2 {
      %get3A_3 = arith.constant 0 : index
      %get3A_4 = arith.constant 0 : index
      %get3A_5 = vector.load %arg3[%get3A_3, %get3A_4] : memref<256x1024xf32, #tpu.memory_space<vmem>>, vector<256x1024xf32>
      %get3A_6 = arith.constant 0 : index
      %get3A_7 = arith.constant 0 : index
      %get3A_8 = arith.constant 0 : index
      %get3A_9 = vector.load %arg4[%get3A_6, %get3A_7, %get3A_8] : memref<1x2048x1024xf32, #tpu.memory_space<vmem>>, vector<1x2048x1024xf32>
      %get3A_10 = vector.shape_cast %get3A_9 : vector<1x2048x1024xf32> to vector<2048x1024xf32>
      %dot_general3A = arith.constant dense<0.000000e+00> : vector<256x2048xf32>
      %dot_general3A_11 = tpu.matmul %get3A_5, %get3A_10, %dot_general3A {dimension_numbers = #tpu.dot_dimension_numbers<[1], [1], [0], [0], [0, 0, 1, 0], [], []>, transpose_lhs_hint = false} : vector<256x1024xf32>, vector<2048x1024xf32>, vector<256x2048xf32> -> vector<256x2048xf32>
      %get3A_12 = arith.constant 0 : index
      %get3A_13 = arith.constant 0 : index
      %get3A_14 = arith.constant 0 : index
      %get3A_15 = vector.load %arg5[%get3A_12, %get3A_13, %get3A_14] : memref<1x1x2048xf32, #tpu.memory_space<vmem>>, vector<1x1x2048xf32>
      %get3A_16 = vector.shape_cast %get3A_15 : vector<1x1x2048xf32> to vector<2048xf32>
      %broadcast_in_dim3A = vector.shape_cast %get3A_16 : vector<2048xf32> to vector<1x2048xf32>
      %add3A = vector.broadcast %broadcast_in_dim3A : vector<1x2048xf32> to vector<256x2048xf32>
      %add3A_17 = arith.addf %dot_general3A_11, %add3A : vector<256x2048xf32>
      %slice3A = vector.extract_strided_slice %add3A_17 {offsets = [0, 0], sizes = [256, 1024], strides = [1, 1]} : vector<256x2048xf32> to vector<256x1024xf32>
      %min3A = arith.constant 7.000000e+00 : f32
      %min3A_18 = vector.broadcast %min3A : f32 to vector<256x1024xf32>
      %min3A_19 = arith.minimumf %slice3A, %min3A_18 : vector<256x1024xf32>
      %slice3A_20 = vector.extract_strided_slice %add3A_17 {offsets = [0, 1024], sizes = [256, 1024], strides = [1, 1]} : vector<256x2048xf32> to vector<256x1024xf32>
      %jit3A = arith.constant -7.000000e+00 : f32
      %jit3A_21 = arith.constant 7.000000e+00 : f32
      %max3A = vector.broadcast %jit3A : f32 to vector<256x1024xf32>
      %max3A_22 = arith.maximumf %max3A, %slice3A_20 : vector<256x1024xf32>
      %min3A_23 = vector.broadcast %jit3A_21 : f32 to vector<256x1024xf32>
      %min3A_24 = arith.minimumf %min3A_23, %max3A_22 : vector<256x1024xf32>
      %mul3A = arith.constant 1.702000e+00 : f32
      %mul3A_25 = vector.broadcast %mul3A : f32 to vector<256x1024xf32>
      %mul3A_26 = arith.mulf %mul3A_25, %min3A_19 : vector<256x1024xf32>
      %logistic3A = arith.negf %mul3A_26 : vector<256x1024xf32>
      %logistic3A_27 = math.exp %logistic3A : vector<256x1024xf32>
      %logistic3A_28 = arith.constant 1.000000e+00 : f32
      %logistic3A_29 = vector.broadcast %logistic3A_28 : f32 to vector<256x1024xf32>
      %logistic3A_30 = arith.addf %logistic3A_29, %logistic3A_27 : vector<256x1024xf32>
      %logistic3A_31 = arith.divf %logistic3A_29, %logistic3A_30 : vector<256x1024xf32>
      %mul3A_32 = arith.mulf %min3A_19, %logistic3A_31 : vector<256x1024xf32>
      %add3A_33 = arith.constant 1.000000e+00 : f32
      %add3A_34 = vector.broadcast %add3A_33 : f32 to vector<256x1024xf32>
      %add3A_35 = arith.addf %min3A_24, %add3A_34 : vector<256x1024xf32>
      %mul3A_36 = arith.mulf %mul3A_32, %add3A_35 : vector<256x1024xf32>
      %get3A_37 = arith.constant 0 : index
      %get3A_38 = arith.constant 0 : index
      %get3A_39 = arith.constant 0 : index
      %get3A_40 = vector.load %arg6[%get3A_37, %get3A_38, %get3A_39] : memref<1x1024x1024xf32, #tpu.memory_space<vmem>>, vector<1x1024x1024xf32>
      %get3A_41 = vector.shape_cast %get3A_40 : vector<1x1024x1024xf32> to vector<1024x1024xf32>
      %dot_general3A_42 = arith.constant dense<0.000000e+00> : vector<256x1024xf32>
      %dot_general3A_43 = tpu.matmul %mul3A_36, %get3A_41, %dot_general3A_42 {dimension_numbers = #tpu.dot_dimension_numbers<[1], [1], [0], [0], [0, 0, 1, 0], [], []>, transpose_lhs_hint = false} : vector<256x1024xf32>, vector<1024x1024xf32>, vector<256x1024xf32> -> vector<256x1024xf32>
      %get3A_44 = arith.constant 0 : index
      %get3A_45 = arith.constant 0 : index
      %get3A_46 = arith.constant 0 : index
      %get3A_47 = vector.load %arg7[%get3A_44, %get3A_45, %get3A_46] : memref<1x1x1024xf32, #tpu.memory_space<vmem>>, vector<1x1x1024xf32>
      %get3A_48 = vector.shape_cast %get3A_47 : vector<1x1x1024xf32> to vector<1024xf32>
      %broadcast_in_dim3A_49 = vector.shape_cast %get3A_48 : vector<1024xf32> to vector<1x1024xf32>
      %add3A_50 = vector.broadcast %broadcast_in_dim3A_49 : vector<1x1024xf32> to vector<256x1024xf32>
      %add3A_51 = arith.addf %dot_general3A_43, %add3A_50 : vector<256x1024xf32>
      %swap3A = arith.constant 0 : index
      %swap3A_52 = arith.constant 0 : index
      %swap3A_53 = vector.load %arg8[%swap3A, %swap3A_52] : memref<256x1024xf32, #tpu.memory_space<vmem>>, vector<256x1024xf32>
      tpu.vector_store %arg8[%swap3A, %swap3A_52], %add3A_51 {strides = array<i32>} : memref<256x1024xf32, #tpu.memory_space<vmem>>, vector<256x1024xf32>,
    } else {
    }
    return
  }
  func.func @transform_0(%arg0: i32, %arg1: memref<24x1xi32, #tpu.memory_space<smem>>, %arg2: memref<1x1xi32, #tpu.memory_space<smem>>) -> (i32, i32) {
    %c0_i32 = arith.constant 0 : i32
    %c0_i32_0 = arith.constant 0 : i32
    return %arg0, %c0_i32 : i32, i32
  }
  func.func @transform_1(%arg0: i32, %arg1: memref<24x1xi32, #tpu.memory_space<smem>>, %arg2: memref<1x1xi32, #tpu.memory_space<smem>>) -> (i32, i32, i32) {
    %get3A = arith.index_cast %arg0 : i32 to index
    %get3A_0 = arith.constant 0 : index
    %get3A_1 = memref.load %arg1[%get3A, %get3A_0] : memref<24x1xi32, #tpu.memory_space<smem>>
    %c0_i32 = arith.constant 0 : i32
    %c0_i32_2 = arith.constant 0 : i32
    %c0_i32_3 = arith.constant 0 : i32
    return %get3A_1, %c0_i32, %c0_i32_2 : i32, i32, i32
  }
  func.func @transform_2(%arg0: i32, %arg1: memref<24x1xi32, #tpu.memory_space<smem>>, %arg2: memref<1x1xi32, #tpu.memory_space<smem>>) -> (i32, i32, i32) {
    %get3A = arith.index_cast %arg0 : i32 to index
    %get3A_0 = arith.constant 0 : index
    %get3A_1 = memref.load %arg1[%get3A, %get3A_0] : memref<24x1xi32, #tpu.memory_space<smem>>
    %c0_i32 = arith.constant 0 : i32
    %c0_i32_2 = arith.constant 0 : i32
    %c0_i32_3 = arith.constant 0 : i32
    return %get3A_1, %c0_i32, %c0_i32_2 : i32, i32, i32
  }
  func.func @transform_3(%arg0: i32, %arg1: memref<24x1xi32, #tpu.memory_space<smem>>, %arg2: memref<1x1xi32, #tpu.memory_space<smem>>) -> (i32, i32, i32) {
    %get3A = arith.index_cast %arg0 : i32 to index
    %get3A_0 = arith.constant 0 : index
    %get3A_1 = memref.load %arg1[%get3A, %get3A_0] : memref<24x1xi32, #tpu.memory_space<smem>>
    %c0_i32 = arith.constant 0 : i32
    %c0_i32_2 = arith.constant 0 : i32
    %c0_i32_3 = arith.constant 0 : i32
    return %get3A_1, %c0_i32, %c0_i32_2 : i32, i32, i32
  }
  func.func @transform_4(%arg0: i32, %arg1: memref<24x1xi32, #tpu.memory_space<smem>>, %arg2: memref<1x1xi32, #tpu.memory_space<smem>>) -> (i32, i32, i32) {
    %get3A = arith.index_cast %arg0 : i32 to index
    %get3A_0 = arith.constant 0 : index
    %get3A_1 = memref.load %arg1[%get3A, %get3A_0] : memref<24x1xi32, #tpu.memory_space<smem>>
    %c0_i32 = arith.constant 0 : i32
    %c0_i32_2 = arith.constant 0 : i32
    %c0_i32_3 = arith.constant 0 : i32
    return %get3A_1, %c0_i32, %c0_i32_2 : i32, i32, i32
  }
  func.func @transform_5(%arg0: i32, %arg1: memref<24x1xi32, #tpu.memory_space<smem>>, %arg2: memref<1x1xi32, #tpu.memory_space<smem>>) -> (i32, i32) {
    %c0_i32 = arith.constant 0 : i32
    %c0_i32_0 = arith.constant 0 : i32
    return %arg0, %c0_i32 : i32, i32
  }
}

module attributes {stable_mosaic.version = 14 : i64} {
  func.func @_combine_body(%arg0: i32, %arg1: memref<256x1024xf32, #tpu.memory_space<vmem>>, %arg2: memref<256x2xf32, #tpu.memory_space<vmem>>, %arg3: memref<256x1024xf32, #tpu.memory_space<vmem>>, %arg4: memref<256x1024xf32, #tpu.memory_space<vmem>>, %arg5: memref<256x1024xf32, #tpu.memory_space<vmem>>) attributes {dimension_semantics = [#tpu.dimension_semantics<arbitrary>], iteration_bounds = array<i64: 8>, scalar_prefetch = 0 : i64, scratch_operands = 0 : i64, tpu.core_type = #tpu.core_type<tc>, window_params = [{transform_indices = @transform_0, window_bounds = array<i64: 256, 1024>}, {transform_indices = @transform_1, window_bounds = array<i64: 256, 2>}, {transform_indices = @transform_2, window_bounds = array<i64: 256, 1024>}, {transform_indices = @transform_3, window_bounds = array<i64: 256, 1024>}, {transform_indices = @transform_4, window_bounds = array<i64: 256, 1024>}]} {
    %get3A = arith.constant 0 : index
    %get3A_0 = arith.constant 0 : index
    %get3A_1 = vector.load %arg2[%get3A, %get3A_0] : memref<256x2xf32, #tpu.memory_space<vmem>>, vector<256x1xf32>
    %get3A_2 = arith.constant 0 : index
    %get3A_3 = arith.constant 1 : index
    %get3A_4 = vector.load %arg2[%get3A_2, %get3A_3] : memref<256x2xf32, #tpu.memory_space<vmem>>, vector<256x1xf32>
    %get3A_5 = arith.constant 0 : index
    %get3A_6 = arith.constant 0 : index
    %get3A_7 = vector.load %arg1[%get3A_5, %get3A_6] : memref<256x1024xf32, #tpu.memory_space<vmem>>, vector<256x1024xf32>
    %get3A_8 = arith.constant 0 : index
    %get3A_9 = arith.constant 0 : index
    %get3A_10 = vector.load %arg3[%get3A_8, %get3A_9] : memref<256x1024xf32, #tpu.memory_space<vmem>>, vector<256x1024xf32>
    %mul3A = vector.broadcast %get3A_1 : vector<256x1xf32> to vector<256x1024xf32>
    %mul3A_11 = arith.mulf %mul3A, %get3A_10 : vector<256x1024xf32>
    %add3A = arith.addf %get3A_7, %mul3A_11 : vector<256x1024xf32>
    %get3A_12 = arith.constant 0 : index
    %get3A_13 = arith.constant 0 : index
    %get3A_14 = vector.load %arg4[%get3A_12, %get3A_13] : memref<256x1024xf32, #tpu.memory_space<vmem>>, vector<256x1024xf32>
    %mul3A_15 = vector.broadcast %get3A_4 : vector<256x1xf32> to vector<256x1024xf32>
    %mul3A_16 = arith.mulf %mul3A_15, %get3A_14 : vector<256x1024xf32>
    %add3A_17 = arith.addf %add3A, %mul3A_16 : vector<256x1024xf32>
    %swap3A = arith.constant 0 : index
    %swap3A_18 = arith.constant 0 : index
    %swap3A_19 = vector.load %arg5[%swap3A, %swap3A_18] : memref<256x1024xf32, #tpu.memory_space<vmem>>, vector<256x1024xf32>
    tpu.vector_store %arg5[%swap3A, %swap3A_18], %add3A_17 {strides = array<i32>} : memref<256x1024xf32, #tpu.memory_space<vmem>>, vector<256x1024xf32>,
    return
  }
  func.func @transform_0(%arg0: i32) -> (i32, i32) {
    %c0_i32 = arith.constant 0 : i32
    %c0_i32_0 = arith.constant 0 : i32
    return %arg0, %c0_i32 : i32, i32
  }
  func.func @transform_1(%arg0: i32) -> (i32, i32) {
    %c0_i32 = arith.constant 0 : i32
    %c0_i32_0 = arith.constant 0 : i32
    return %arg0, %c0_i32 : i32, i32
  }
  func.func @transform_2(%arg0: i32) -> (i32, i32) {
    %c0_i32 = arith.constant 0 : i32
    %c0_i32_0 = arith.constant 0 : i32
    return %arg0, %c0_i32 : i32, i32
  }
  func.func @transform_3(%arg0: i32) -> (i32, i32) {
    %add3A = arith.constant 8 : i32
    %add3A_0 = arith.addi %add3A, %arg0 : i32
    %c0_i32 = arith.constant 0 : i32
    %c0_i32_1 = arith.constant 0 : i32
    return %add3A_0, %c0_i32 : i32, i32
  }
  func.func @transform_4(%arg0: i32) -> (i32, i32) {
    %c0_i32 = arith.constant 0 : i32
    %c0_i32_0 = arith.constant 0 : i32
    return %arg0, %c0_i32 : i32, i32
  }
}

</mosaic_0001>

<sc_bundles>
// kernel: kernel.10.cloned.1.call-start
scs
__scs_entry_jumppad:
0x0: {  	(pc) =	sbr.rel $0x88, $3  }
0x1: {  	(tag) =	ssettag $0x0;
	lr =	simm.s32 $0x1  }
0x2: {  	[smem:$0x3F99] =	sst lr;
	_ =	strace $0xD0000000  }
0x3: {  	_ = 	snop  }
0x4: {  	_ = 	snop  }
0x5: {  	_ = 	snop  }
0x6: {  	_ = 	snop  }
0x7: {  	_ = 	snop  }
__scs_overlays_trampoline_lowered:
0x8: {  	[smem:$0x3FA8] =	sst s0  }
0x9: {  	[smem:$0x3FA9] =	sst s1  }
0xa: {  	[smem:$0x3FAA] =	sst s2  }
0xb: {  	[smem:$0x3FAB] =	sst s3  }
0xc: {  	[smem:$0x3FAC] =	sst s4  }
0xd: {  	[smem:$0x3FAD] =	sst s5  }
0xe: {  	[smem:$0x3FAE] =	sst s6  }
0xf: {  	[smem:$0x3FAF] =	sst s7  }
0x10: {  	[smem:$0x3FB0] =	sst s8  }
0x11: {  	[smem:$0x3FB1] =	sst s9;
	s0 =	simm.s32 @!p0 $0x0  }
0x12: {  	s1 =	sld [smem:$0x3F97];
	s0 =	simm.s32 @p0 $0x1  }
0x13: {  	[smem:$0x3FB2] =	sst s0;
	s0 =	simm.s32 @!p1 $0x0  }
0x14: {  	s2 =	sld [smem:$0x3F96];
	s0 =	simm.s32 @p1 $0x1  }
0x15: {  	[smem:$0x3FB3] =	sst s0;
	s0 =	simm.s32 @!p2 $0x0  }
0x16: {  	s3 =	sld [smem:$0x3FDB];
	s0 =	simm.s32 @p2 $0x1  }
0x17: {  	s4 =	simm.s32 $0x1BF5;
	[smem:$0x3FB5] =	sst s0  }
0x18: {  	s0 =	sld [smem:$0x3F98];
	_ =	swait.ge [sflag:s4], $0x0  }
0x19: {  	s7 =	sld [smem:$0x3F99]  }
0x1a: {  	s8 =	sadd.s32 $0xFFFFE003, lr  }
0x1b: {  	s9 =	sadd.s32 $0xFFFFFEF7, lr;
	s5 =	simm.s32 $0xFFFFFFFF;
	p2 =	slt.u32 s8, $0xFFFFF086  }
0x1c: {  	p1 =	slt.u32 s9, $0xF7A;
	s5 =	simm.s32 @!p2 $0x0  }
0x1d: {  	s5 =	simm.s32 @p1 $0x1;
	p0 =	seq.s32 s7, s2  }
0x1e: {  	s7 =	smul.u32 @!p0 $0xF7A, s2;
	p2 =	seq.s32 @!p0 s5, $0x0  }
0x1f: {  	s9 =	smul.u32 $0xF7A, s1;
	s8 =	simm.s32 @!p0 $0x1BF5;
	p2 =	por !p2, p0  }
0x20: {  	[sflag:s8] =	ssyncset.s32 @!p0 $0xFFFFF086;
	s6 =	sadd.s32 @!p0 s3, s7;
	s7 =	simm.s32 @!p0 $0x108  }
0x21: {  	s3 =	sadd.s32 s3, s9;
	s6 =	sadd.s32 @!p0 $0x88, s6;
	s7 =	simm.s32 @p2 $0x1082  }
0x22: {  	[simem:s7], [sflag:s8] =	dma.local @!p0 [hbm:s6], $0xF7A  }
0x23: {  	s9 =	sor.u32 $0xD0000000, s2;
	s6 =	simm.s32 $0x108;
	_ =	swait.ge @!p0 [sflag:s8], $0x0  }
0x24: {  	s3 =	sadd.s32 $0x88, s3;
	s6 =	simm.s32 @!p1 $0x1082;
	[sflag:s4] =	ssyncset.s32 $0xFFFFF086  }
0x25: {  	[simem:s6], [sflag:s4] =	dma.local [hbm:s3], $0xF7A  }
0x26: {  	[smem:$0x3F99] =	sst s1;
	(tag) =	ssettag s2;
	_ =	strace s9  }
0x27: {  	s1 =	sld [smem:$0x3FA9]  }
0x28: {  	s2 =	sld [smem:$0x3FAA]  }
0x29: {  	s4 =	sld [smem:$0x3FAC]  }
0x2a: {  	p0 =	seq.s32 s5, $0x0;
	s5 =	sld [smem:$0x3FAD]  }
0x2b: {  	s6 =	sld [smem:$0x3FAE]  }
0x2c: {  	s7 =	sld [smem:$0x3FAF]  }
0x2d: {  	s3 =	simm.s32 $0x108;
	s8 =	sld [smem:$0x3FB0]  }
0x2e: {  	s3 =	simm.s32 @!p0 $0x1082;
	s9 =	sld [smem:$0x3FB1]  }
0x2f: {  	lr =	sadd.s32 s0, s3;
	s0 =	sld [smem:$0x3FA8]  }
0x30: {  	s3 =	sld [smem:$0x3FAB]  }
0x31: {  	[smem:$0x3FB4] =	sst s10  }
0x32: {  	s10 =	sld [smem:$0x3FB2];
	_ =	sdelay $0x3  }
0x33: {  	p0 =	seq.s32 s10, $0x1;
	s10 =	sld [smem:$0x3FB4];
	_ =	sdelay $0x3  }
0x34: {  	[smem:$0x3FB4] =	sst s10  }
0x35: {  	s10 =	sld [smem:$0x3FB3];
	_ =	sdelay $0x3  }
0x36: {  	p1 =	seq.s32 s10, $0x1;
	s10 =	sld [smem:$0x3FB4];
	_ =	sdelay $0x3  }
0x37: {  	[smem:$0x3FB4] =	sst s10  }
0x38: {  	s10 =	sld [smem:$0x3FB5]  }
0x39: {  	_ = 	snop;
	(pc) =	sbr.ind lr, $3  }
0x3a: {  	_ = 	snop  }
0x3b: {  	_ = 	snop  }
0x3c: {  	p2 =	seq.s32 s10, $0x1;
	s10 =	sld [smem:$0x3FB4]  }
0x3d: {  	_ =	shalt  }
0x3e: {  	_ =	shalt  }
0x3f: {  	_ =	shalt  }
0x40: {  	_ =	shalt  }
0x41: {  	_ =	shalt  }
0x42: {  	_ =	shalt  }
0x43: {  	_ =	shalt  }
0x44: {  	_ =	shalt  }
0x45: {  	_ =	shalt  }
0x46: {  	_ =	shalt  }
0x47: {  	_ =	shalt  }
0x48: {  	_ =	shalt  }
0x49: {  	_ =	shalt  }
0x4a: {  	_ =	shalt  }
0x4b: {  	_ =	shalt  }
0x4c: {  	_ =	shalt  }
0x4d: {  	_ =	shalt  }
0x4e: {  	_ =	shalt  }
0x4f: {  	_ =	shalt  }
0x50: {  	_ =	shalt  }
0x51: {  	_ =	shalt  }
0x52: {  	_ =	shalt  }
0x53: {  	_ =	shalt  }
0x54: {  	_ =	shalt  }
0x55: {  	_ =	shalt  }
0x56: {  	_ =	shalt  }
0x57: {  	_ =	shalt  }
0x58: {  	_ =	shalt  }
0x59: {  	_ =	shalt  }
0x5a: {  	_ =	shalt  }
0x5b: {  	_ =	shalt  }
0x5c: {  	_ =	shalt  }
0x5d: {  	_ =	shalt  }
0x5e: {  	_ =	shalt  }
0x5f: {  	_ =	shalt  }
0x60: {  	_ =	shalt  }
0x61: {  	_ =	shalt  }
0x62: {  	_ =	shalt  }
0x63: {  	_ =	shalt  }
0x64: {  	_ =	shalt  }
0x65: {  	_ =	shalt  }
0x66: {  	_ =	shalt  }
0x67: {  	_ =	shalt  }
0x68: {  	_ =	shalt  }
0x69: {  	_ =	shalt  }
0x6a: {  	_ =	shalt  }
0x6b: {  	_ =	shalt  }
0x6c: {  	_ =	shalt  }
0x6d: {  	_ =	shalt  }
0x6e: {  	_ =	shalt  }
0x6f: {  	_ =	shalt  }
0x70: {  	_ =	shalt  }
0x71: {  	_ =	shalt  }
0x72: {  	_ =	shalt  }
0x73: {  	_ =	shalt  }
0x74: {  	_ =	shalt  }
0x75: {  	_ =	shalt  }
0x76: {  	_ =	shalt  }
0x77: {  	_ =	shalt  }
0x78: {  	_ =	shalt  }
0x79: {  	_ =	shalt  }
0x7a: {  	_ =	shalt  }
0x7b: {  	_ =	shalt  }
0x7c: {  	_ =	shalt  }
0x7d: {  	_ =	shalt  }
0x7e: {  	_ =	shalt  }
0x7f: {  	_ =	shalt  }
0x80: {  	_ =	shalt  }
0x81: {  	_ =	shalt  }
0x82: {  	_ =	shalt  }
0x83: {  	_ =	shalt  }
0x84: {  	_ =	shalt  }
0x85: {  	_ =	shalt  }
0x86: {  	_ =	shalt  }
0x87: {  	_ =	shalt  }
.Lfunc_end0:
.L_simem_size_0:
called_computation.1_lowered:
.L_overlay_start_0:
0x88: {  	s2 =	sld [smem:$0x3FD9]  }
0x89: {  	s3 =	sld [smem:$0x3FFE];
	_ =	sdelay $0x1  }
0x8a: {  	s1 =	srdreg.scid  }
0x8b: {  	s0 =	sand.u32 $0x1, s1  }
0x8c: {  	s16 =	sshll.u32 s0, $0xA;
	s2 =	sadd.s32 s3, s2  }
0x8d: {  	s2 =	sadd.s32 s2, s16  }
0x8e: {  	[smem:$0x3FC0] =	sst s2  }
0x8f: {  	_ = 	snop  }
0x90: {  	(tm) =	ssettm $0x1  }
0x91: {  	s17 =	sld [smem:$0x3FFB];
	_ =	sdelay $0x3  }
0x92: {  	_ =	strace s17  }
0x93: {  	s2 =	sld [smem:$0x3FFC];
	_ =	sdelay $0x3  }
0x94: {  	_ =	strace s2  }
0x95: {  	s2 =	sld [smem:$0x3FFD];
	_ =	sdelay $0x3  }
0x96: {  	_ =	strace s2  }
0x97: {  	_ =	strace $0x8FFFFFFF  }
0x98: {  	s18 =	sld [smem:$0x3FDB];
	_ =	sdelay $0x1  }
0x99: {  	s19 =	simm.s32 $_scs_section_size  }
0x9a: {  	s4 =	simm.s32 $_size__tile_overlayer_lowered;
	s5 =	simm.s32 $_tile_overlayer_lowered  }
0x9b: {  	s22 =	simm.s32 $0x1BFF;
	s21 =	sshll.u32 s5, $0x1;
	s2 =	sadd.s32 s19, s18  }
0x9c: {  	s6 =	simm.s32 $0x0;
	s20 =	sshll.u32 s4, $0x1;
	s4 =	sadd.s32 s21, s2  }
0x9d: {  	[timem:s6], [sflag:s22] =	dma.local [hbm:s4], s20  }
0x9e: {  	_ =	swait.ge [sflag:s22], s20  }
0x9f: {  	s3 =	ssub.s32 $0x0, s20;
	[sflag:s22] =	ssyncset.done $0x0  }
0xa0: {  	[sflag:s22] =	ssyncadd.s32 s3;
	_ =	sdelay $0x1  }
0xa1: {  	s23 =	simm.s32 $0x1B8B  }
0xa2: {  	_ =	swait.ge [sflag:s23], $0x1  }
0xa3: {  	[sflag:s23] =	ssyncset.done $0x0  }
0xa4: {  	s25 =	simm.s32 $0x1B8E;
	s24 =	sld [smem:$0x3FFE];
	[sflag:s23] =	ssyncadd.s32 $0xFFFFFFFF  }
0xa5: {  	s26 =	simm.s32 $execute0_lowered;
	[smem:$0x3FD2] =	sst s25  }
0xa6: {  	s4 =	sshll.u32 s26, $0x1;
	_ =	strace $0x80000049;
	[dreg:$0x1] =	wrdreg $0xFFFFFFFF  }
0xa7: {  	s28 =	simm.s32 $_size_execute0_lowered;
	s2 =	sadd.s32 s2, s4;
	[dreg:$0x0] =	wrdreg $0x0  }
0xa8: {  	s4 =	sshll.u32 s28, $0x1;
	[dreg:$0x2] =	wrdreg s2  }
0xa9: {  	[dreg:$0x3] =	wrdreg s4  }
0xaa: {  	[dreg:$0x4] =	wrdreg $0xC0  }
0xab: {  	_ =	task [dreg:s6], $0x5FFFF  }
0xac: {  	[dreg:$0x1] =	wrdreg $0xFFFFFFFF  }
0xad: {  	[dreg:$0x0] =	wrdreg $0x60  }
0xae: {  	[dreg:$0x2] =	wrdreg s24  }
0xaf: {  	[dreg:$0x3] =	wrdreg $0x9  }
0xb0: {  	_ =	task.clear_ibuf [dreg:s6], $0x4FFFF;
	_ =	strace $0x90000049  }
0xb1: {  	s29 =	simm.s32 $0x9;
	_ =	strace $0x8000004B  }
0xb2: {  	_ =	swait.ge [sflag:s29], $0x1  }
0xb3: {  	[sflag:s29] =	ssyncadd.s32 $0xFFFFFFFF  }
0xb4: {  	_ =	strace $0x9000004B  }
0xb5: {  	_ =	sfence  }
0xb6: {  	s30 =	sld [smem:$0x0];
	_ =	sdelay $0x2  }
0xb7: {  	s31 =	sshll.u32 s1, $0xD;
	s1 =	sshrl.u32 s1, $0x2  }
0xb8: {  	s3 =	sand.u32 $0x4000, s31;
	s1 =	sadd.s32 s1, s30  }
0xb9: {  	s0 =	sor.u32 s3, s0;
	s1 =	sshll.u32 s1, $0x11  }
0xba: {  	s0 =	sor.u32 s1, s0  }
0xbb: {  	s0 =	sadd.s32 $0x8F2B, s0  }
0xbc: {  	[sflag:s0] =	ssyncadd.remote.s32 $0x1  }
0xbd: {  	_ =	sfence.sel $0xFFFF  }
0xbe: {  	[dreg:$0x0] =	wrdreg $0xFFFFFFFF;
	(pc) =	sbr.abs _section_cstart, $3  }
0xbf: {  	[dreg:$0x1] =	wrdreg $0xFFFFFFFF  }
0xc0: {  	_ =	task.clear_ibuf [dreg:s6], $0x2FFFF;
	_ =	strace $0x9FFFFFFF  }
0xc1: {  	(tm) =	ssettm $0x7FFFFFFF  }
tec
execute0_lowered:
.L_overlay_start_1:
0x0: {  	(tag) =	ssettag $0x1  }
0x1: {  	s0 =	rddreg [dreg:$0x0];
	s1 =	srdreg.scid  }
0x2: {  	s2 =	simm.s32 $0x0;
	s3 =	stileid.u32;
	s18 =	simm.s32 $0x1  }
0x3: {  	s20 =	simm.s32 $0x880;
	s21 =	simm.s32 $0x1080;
	s22 =	simm.s32 $0x1880  }
0x4: {  	s23 =	simm.s32 $0x2080;
	s28 =	simm.s32 $0x4080;
	s29 =	simm.s32 $0x4880  }
0x5: {  	s30 =	simm.s32 $0x5080;
	s31 =	simm.s32 $0x5880;
	s11 =	simm.s32 $0x7880  }
0x6: {  	s12 =	simm.s32 $0x8080;
	s13 =	simm.s32 $0x8880;
	s14 =	simm.s32 $0x9080  }
0x7: {  	s15 =	simm.s32 $0x9880;
	s16 =	simm.s32 $0xA080;
	s17 =	simm.s32 $0xA880  }
0x8: {  	s1 =	sand.u32 $0x1, s1;
	[smem:$0x7FF] =	sst s2;
	s3 =	sshll.u32 s3, $0x8  }
0x9: {  	s6 =	sadd.s32 $0xC2000, s0;
	s8 =	sadd.s32 $0x1A00, s0;
	s4 =	sshll.u32 s1, $0x7  }
0xa: {  	_ =	strace $0x8000004A;
	s1 =	ssub.s32 $0x2, s1;
	s5 =	sor.u32 s4, s3  }
0xb: {  	s3 =	sadd.s32 $0xC2200, s0;
	s7 =	sshrl.u32 s1, $0x1;
	s4 =	sshrl.u32 s5, $0x3  }
0xc: {  	s1 =	ssub.s32 s1, s7;
	s24 =	sshll.u32 s5, $0x7;
	s9 =	sor.u32 $0x40, s5  }
0xd: {  	s5 =	sadd.s32 $0xC2400, s0;
	s4 =	sadd.s32 s6, s4;
	s7 =	sadd.s32 s8, s24  }
0xe: {  	s10 =	sshrl.u32 s9, $0x3;
	s9 =	sshll.u32 s9, $0x7;
	[dreg:$0x2] =	wrdreg s4  }
0xf: {  	s24 =	simm.s32 $0x2880;
	s4 =	sadd.s32 $0xC2300, s0;
	[dreg:$0x3] =	wrdreg s7  }
0x10: {  	s25 =	sadd.s32 s6, s10;
	s6 =	sadd.s32 $0xC2500, s0;
	s26 =	sadd.s32 s8, s9  }
0x11: {  	v2 =	vlaneseq.u32;
	s7 =	smax.u32 s1, $0x1;
	s8 =	simm.s32 $0x2;
	s0 =	simm.s32 $0x80  }
0x12: {  	vm0 =	vmmov $0xffff;
	v1 =	vshrl.u32 v2, $0x3;
	s10 =	simm.s32 $0x7080;
	s9 =	simm.s32 $0xB080;
	[dreg:$0x4] =	wrdreg s25  }
0x13: {  	v0 =	vand.u32 $0x7, v2;
	v2 =	vor.u32 $0x8, v2;
	v1 =	vmul.u32 $0x8, v1;
	[dreg:$0x5] =	wrdreg s26;
	s25 =	simm.s32 $0x3080;
	s26 =	simm.s32 $0x3880  }
.LBB2_1:
0x14: {  	s19 =	rddreg [dreg:$0x2]  }
0x15: {  	[tilespmem:s2], [sflag:$0x2] =	stream.linear.gather [hbm4b:s19+s2], $0x40, $0x38;
	[tilespmem:$0x10080] =	vst v63  }
0x16: {  	_ =	swait.ge [sflag:s8], $0x40  }
0x17: {  	[sflag:s8] =	ssyncset.done $0x0  }
0x18: {  	[sflag:s8] =	ssyncadd.s32 $0xFFFFFFC0  }
0x19: {  	v3 =	vld [tilespmem:$0x0];
	_ =	sdelay $0x4  }
0x1a: {  	v4 =	vshll.u32 v3, $0x3  }
0x1b: {  	v3 =	vand.u32 $0x7, v3;
	v4 =	vand.u32 $0xFFFFFFC0, v4  }
0x1c: {  	v3 =	vor.u32 v3, v4  }
0x1d: {  	v4 =	vperm.xlane v3, v0;
	_ =	sdelay $0x1  }
0x1e: {  	v4 =	vadd.s32 v1, v4;
	_ =	sdelay $0x4  }
0x1f: {  	[tilespmem:s0], [sflag:$0x1] =	stream.indirect_vreg.gather [hbm4b:s3+s2], $0x80, v4, vm0, $0xb8;
	[tilespmem:$0x10080] =	vst v63  }
0x20: {  	v3 =	vperm.xlane v3, v2  }
0x21: {  	[tilespmem:s20], [sflag:$0x1] =	stream.indirect_vreg.gather [hbm4b:s4+s2], $0x80, v4, vm0, $0xb8;
	[tilespmem:$0x10080] =	vst v63  }
0x22: {  	v3 =	vadd.s32 v1, v3  }
0x23: {  	[tilespmem:s21], [sflag:$0x1] =	stream.indirect_vreg.gather [hbm4b:s5+s2], $0x80, v4, vm0, $0xb8;
	[tilespmem:$0x10080] =	vst v63  }
0x24: {  	_ = 	snop  }
0x25: {  	[tilespmem:s22], [sflag:$0x1] =	stream.indirect_vreg.gather [hbm4b:s6+s2], $0x80, v4, vm0, $0xb8;
	[tilespmem:$0x10080] =	vst v63  }
0x26: {  	_ = 	snop  }
0x27: {  	[tilespmem:s23], [sflag:$0x1] =	stream.indirect_vreg.gather [hbm4b:s3+s2], $0x80, v3, vm0, $0xb8;
	[tilespmem:$0x10080] =	vst v63  }
0x28: {  	_ = 	snop  }
0x29: {  	[tilespmem:s24], [sflag:$0x1] =	stream.indirect_vreg.gather [hbm4b:s4+s2], $0x80, v3, vm0, $0xb8;
	[tilespmem:$0x10080] =	vst v63  }
0x2a: {  	_ = 	snop  }
0x2b: {  	[tilespmem:s25], [sflag:$0x1] =	stream.indirect_vreg.gather [hbm4b:s5+s2], $0x80, v3, vm0, $0xb8;
	[tilespmem:$0x10080] =	vst v63  }
0x2c: {  	_ = 	snop  }
0x2d: {  	[tilespmem:s26], [sflag:$0x1] =	stream.indirect_vreg.gather [hbm4b:s6+s2], $0x80, v3, vm0, $0xb8;
	[tilespmem:$0x10080] =	vst v63  }
0x2e: {  	v3 =	vld [tilespmem:$0x10];
	_ =	sdelay $0x4  }
0x2f: {  	v57 =	vshll.u32 v3, $0x3  }
0x30: {  	v3 =	vand.u32 $0x7, v3;
	v4 =	vand.u32 $0xFFFFFFC0, v57  }
0x31: {  	v3 =	vor.u32 v3, v4  }
0x32: {  	v4 =	vperm.xlane v3, v0;
	_ =	sdelay $0x1  }
0x33: {  	v4 =	vadd.s32 v1, v4;
	_ =	sdelay $0x4  }
0x34: {  	[tilespmem:s28], [sflag:$0x1] =	stream.indirect_vreg.gather [hbm4b:s3+s2], $0x80, v4, vm0, $0xb8;
	[tilespmem:$0x10080] =	vst v63  }
0x35: {  	v3 =	vperm.xlane v3, v2  }
0x36: {  	[tilespmem:s29], [sflag:$0x1] =	stream.indirect_vreg.gather [hbm4b:s4+s2], $0x80, v4, vm0, $0xb8;
	[tilespmem:$0x10080] =	vst v63  }
0x37: {  	v3 =	vadd.s32 v1, v3  }
0x38: {  	[tilespmem:s30], [sflag:$0x1] =	stream.indirect_vreg.gather [hbm4b:s5+s2], $0x80, v4, vm0, $0xb8;
	[tilespmem:$0x10080] =	vst v63  }
0x39: {  	_ = 	snop  }
0x3a: {  	[tilespmem:s31], [sflag:$0x1] =	stream.indirect_vreg.gather [hbm4b:s6+s2], $0x80, v4, vm0, $0xb8;
	[tilespmem:$0x10080] =	vst v63  }
0x3b: {  	s1 =	simm.s32 $0x6080  }
0x3c: {  	[tilespmem:s1], [sflag:$0x1] =	stream.indirect_vreg.gather [hbm4b:s3+s2], $0x80, v3, vm0, $0xb8;
	[tilespmem:$0x10080] =	vst v63  }
0x3d: {  	s1 =	simm.s32 $0x6880  }
0x3e: {  	[tilespmem:s1], [sflag:$0x1] =	stream.indirect_vreg.gather [hbm4b:s4+s2], $0x80, v3, vm0, $0xb8;
	[tilespmem:$0x10080] =	vst v63  }
0x3f: {  	_ = 	snop  }
0x40: {  	[tilespmem:s10], [sflag:$0x1] =	stream.indirect_vreg.gather [hbm4b:s5+s2], $0x80, v3, vm0, $0xb8;
	[tilespmem:$0x10080] =	vst v63  }
0x41: {  	_ = 	snop  }
0x42: {  	[tilespmem:s11], [sflag:$0x1] =	stream.indirect_vreg.gather [hbm4b:s6+s2], $0x80, v3, vm0, $0xb8;
	[tilespmem:$0x10080] =	vst v63  }
0x43: {  	v3 =	vld [tilespmem:$0x20];
	_ =	sdelay $0x4  }
0x44: {  	v58 =	vshll.u32 v3, $0x3  }
0x45: {  	v3 =	vand.u32 $0x7, v3;
	v4 =	vand.u32 $0xFFFFFFC0, v58  }
0x46: {  	v3 =	vor.u32 v3, v4  }
0x47: {  	v4 =	vperm.xlane v3, v0;
	_ =	sdelay $0x1  }
0x48: {  	v4 =	vadd.s32 v1, v4;
	_ =	sdelay $0x4  }
0x49: {  	[tilespmem:s12], [sflag:$0x1] =	stream.indirect_vreg.gather [hbm4b:s3+s2], $0x80, v4, vm0, $0xb8;
	[tilespmem:$0x10080] =	vst v63  }
0x4a: {  	v3 =	vperm.xlane v3, v2  }
0x4b: {  	[tilespmem:s13], [sflag:$0x1] =	stream.indirect_vreg.gather [hbm4b:s4+s2], $0x80, v4, vm0, $0xb8;
	[tilespmem:$0x10080] =	vst v63  }
0x4c: {  	v3 =	vadd.s32 v1, v3  }
0x4d: {  	[tilespmem:s14], [sflag:$0x1] =	stream.indirect_vreg.gather [hbm4b:s5+s2], $0x80, v4, vm0, $0xb8;
	[tilespmem:$0x10080] =	vst v63  }
0x4e: {  	_ = 	snop  }
0x4f: {  	[tilespmem:s15], [sflag:$0x1] =	stream.indirect_vreg.gather [hbm4b:s6+s2], $0x80, v4, vm0, $0xb8;
	[tilespmem:$0x10080] =	vst v63  }
0x50: {  	_ = 	snop  }
0x51: {  	[tilespmem:s16], [sflag:$0x1] =	stream.indirect_vreg.gather [hbm4b:s3+s2], $0x80, v3, vm0, $0xb8;
	[tilespmem:$0x10080] =	vst v63  }
0x52: {  	_ = 	snop  }
0x53: {  	[tilespmem:s17], [sflag:$0x1] =	stream.indirect_vreg.gather [hbm4b:s4+s2], $0x80, v3, vm0, $0xb8;
	[tilespmem:$0x10080] =	vst v63  }
0x54: {  	_ = 	snop  }
0x55: {  	[tilespmem:s9], [sflag:$0x1] =	stream.indirect_vreg.gather [hbm4b:s5+s2], $0x80, v3, vm0, $0xb8;
	[tilespmem:$0x10080] =	vst v63  }
0x56: {  	s19 =	simm.s32 $0xB880  }
0x57: {  	[tilespmem:s19], [sflag:$0x1] =	stream.indirect_vreg.gather [hbm4b:s6+s2], $0x80, v3, vm0, $0xb8;
	[tilespmem:$0x10080] =	vst v63  }
0x58: {  	v3 =	vld [tilespmem:$0x30];
	_ =	sdelay $0x4  }
0x59: {  	v59 =	vshll.u32 v3, $0x3  }
0x5a: {  	v3 =	vand.u32 $0x7, v3;
	v4 =	vand.u32 $0xFFFFFFC0, v59  }
0x5b: {  	v3 =	vor.u32 v3, v4  }
0x5c: {  	v4 =	vperm.xlane v3, v0;
	_ =	sdelay $0x1  }
0x5d: {  	v4 =	vadd.s32 v1, v4;
	_ =	sdelay $0x3  }
0x5e: {  	s19 =	simm.s32 $0xC080  }
0x5f: {  	[tilespmem:s19], [sflag:$0x1] =	stream.indirect_vreg.gather [hbm4b:s3+s2], $0x80, v4, vm0, $0xb8;
	[tilespmem:$0x10080] =	vst v63  }
0x60: {  	v3 =	vperm.xlane v3, v2;
	s19 =	simm.s32 $0xC880  }
0x61: {  	[tilespmem:s19], [sflag:$0x1] =	stream.indirect_vreg.gather [hbm4b:s4+s2], $0x80, v4, vm0, $0xb8;
	[tilespmem:$0x10080] =	vst v63  }
0x62: {  	v3 =	vadd.s32 v1, v3;
	s19 =	simm.s32 $0xD080  }
0x63: {  	[tilespmem:s19], [sflag:$0x1] =	stream.indirect_vreg.gather [hbm4b:s5+s2], $0x80, v4, vm0, $0xb8;
	[tilespmem:$0x10080] =	vst v63  }
0x64: {  	s19 =	simm.s32 $0xD880  }
0x65: {  	[tilespmem:s19], [sflag:$0x1] =	stream.indirect_vreg.gather [hbm4b:s6+s2], $0x80, v4, vm0, $0xb8;
	[tilespmem:$0x10080] =	vst v63  }
0x66: {  	s19 =	simm.s32 $0xE080  }
0x67: {  	[tilespmem:s19], [sflag:$0x1] =	stream.indirect_vreg.gather [hbm4b:s3+s2], $0x80, v3, vm0, $0xb8;
	[tilespmem:$0x10080] =	vst v63  }
0x68: {  	s19 =	simm.s32 $0xE880  }
0x69: {  	[tilespmem:s19], [sflag:$0x1] =	stream.indirect_vreg.gather [hbm4b:s4+s2], $0x80, v3, vm0, $0xb8;
	[tilespmem:$0x10080] =	vst v63  }
0x6a: {  	s19 =	simm.s32 $0xF080  }
0x6b: {  	[tilespmem:s19], [sflag:$0x1] =	stream.indirect_vreg.gather [hbm4b:s5+s2], $0x80, v3, vm0, $0xb8;
	[tilespmem:$0x10080] =	vst v63  }
0x6c: {  	s19 =	simm.s32 $0xF880  }
0x6d: {  	[tilespmem:s19], [sflag:$0x1] =	stream.indirect_vreg.gather [hbm4b:s6+s2], $0x80, v3, vm0, $0xb8;
	[tilespmem:$0x10080] =	vst v63  }
0x6e: {  	_ =	swait.ge [sflag:s18], $0x10000  }
0x6f: {  	[sflag:s18] =	ssyncset.done $0x0  }
0x70: {  	s19 =	rddreg [dreg:$0x3];
	[sflag:s18] =	ssyncadd.s32 $0xFFFF0000  }
0x71: {  	[hbm4b:s19+s2] =	stream.linear.scatter [tilespmem:s0], [sflag:$0x2], $0x10000, $0x38;
	[tilespmem:$0x10080] =	vst v63  }
0x72: {  	_ =	swait.ge [sflag:s8], $0x10000  }
0x73: {  	[sflag:s8] =	ssyncset.done $0x0  }
0x74: {  	s19 =	rddreg [dreg:$0x4];
	[sflag:s8] =	ssyncadd.s32 $0xFFFF0000  }
0x75: {  	[tilespmem:s2], [sflag:$0x2] =	stream.linear.gather [hbm4b:s19+s2], $0x40, $0x38;
	[tilespmem:$0x10080] =	vst v63  }
0x76: {  	_ =	swait.ge [sflag:s8], $0x40  }
0x77: {  	[sflag:s8] =	ssyncset.done $0x0  }
0x78: {  	[sflag:s8] =	ssyncadd.s32 $0xFFFFFFC0  }
0x79: {  	v3 =	vld [tilespmem:$0x0];
	_ =	sdelay $0x4  }
0x7a: {  	v60 =	vshll.u32 v3, $0x3  }
0x7b: {  	v3 =	vand.u32 $0x7, v3;
	v4 =	vand.u32 $0xFFFFFFC0, v60  }
0x7c: {  	v3 =	vor.u32 v3, v4  }
0x7d: {  	v4 =	vperm.xlane v3, v0;
	_ =	sdelay $0x1  }
0x7e: {  	v4 =	vadd.s32 v1, v4;
	_ =	sdelay $0x4  }
0x7f: {  	[tilespmem:s0], [sflag:$0x1] =	stream.indirect_vreg.gather [hbm4b:s3+s2], $0x80, v4, vm0, $0xb8;
	[tilespmem:$0x10080] =	vst v63  }
0x80: {  	v3 =	vperm.xlane v3, v2  }
0x81: {  	[tilespmem:s20], [sflag:$0x1] =	stream.indirect_vreg.gather [hbm4b:s4+s2], $0x80, v4, vm0, $0xb8;
	[tilespmem:$0x10080] =	vst v63  }
0x82: {  	v3 =	vadd.s32 v1, v3  }
0x83: {  	[tilespmem:s21], [sflag:$0x1] =	stream.indirect_vreg.gather [hbm4b:s5+s2], $0x80, v4, vm0, $0xb8;
	[tilespmem:$0x10080] =	vst v63  }
0x84: {  	_ = 	snop  }
0x85: {  	[tilespmem:s22], [sflag:$0x1] =	stream.indirect_vreg.gather [hbm4b:s6+s2], $0x80, v4, vm0, $0xb8;
	[tilespmem:$0x10080] =	vst v63  }
0x86: {  	_ = 	snop  }
0x87: {  	[tilespmem:s23], [sflag:$0x1] =	stream.indirect_vreg.gather [hbm4b:s3+s2], $0x80, v3, vm0, $0xb8;
	[tilespmem:$0x10080] =	vst v63  }
0x88: {  	_ = 	snop  }
0x89: {  	[tilespmem:s24], [sflag:$0x1] =	stream.indirect_vreg.gather [hbm4b:s4+s2], $0x80, v3, vm0, $0xb8;
	[tilespmem:$0x10080] =	vst v63  }
0x8a: {  	_ = 	snop  }
0x8b: {  	[tilespmem:s25], [sflag:$0x1] =	stream.indirect_vreg.gather [hbm4b:s5+s2], $0x80, v3, vm0, $0xb8;
	[tilespmem:$0x10080] =	vst v63  }
0x8c: {  	_ = 	snop  }
0x8d: {  	[tilespmem:s26], [sflag:$0x1] =	stream.indirect_vreg.gather [hbm4b:s6+s2], $0x80, v3, vm0, $0xb8;
	[tilespmem:$0x10080] =	vst v63  }
0x8e: {  	v3 =	vld [tilespmem:$0x10];
	_ =	sdelay $0x4  }
0x8f: {  	v61 =	vshll.u32 v3, $0x3  }
0x90: {  	v3 =	vand.u32 $0x7, v3;
	v4 =	vand.u32 $0xFFFFFFC0, v61  }
0x91: {  	v3 =	vor.u32 v3, v4  }
0x92: {  	v4 =	vperm.xlane v3, v0;
	_ =	sdelay $0x1  }
0x93: {  	v4 =	vadd.s32 v1, v4;
	_ =	sdelay $0x4  }
0x94: {  	[tilespmem:s28], [sflag:$0x1] =	stream.indirect_vreg.gather [hbm4b:s3+s2], $0x80, v4, vm0, $0xb8;
	[tilespmem:$0x10080] =	vst v63  }
0x95: {  	v3 =	vperm.xlane v3, v2  }
0x96: {  	[tilespmem:s29], [sflag:$0x1] =	stream.indirect_vreg.gather [hbm4b:s4+s2], $0x80, v4, vm0, $0xb8;
	[tilespmem:$0x10080] =	vst v63  }
0x97: {  	v3 =	vadd.s32 v1, v3  }
0x98: {  	[tilespmem:s30], [sflag:$0x1] =	stream.indirect_vreg.gather [hbm4b:s5+s2], $0x80, v4, vm0, $0xb8;
	[tilespmem:$0x10080] =	vst v63  }
0x99: {  	_ = 	snop  }
0x9a: {  	[tilespmem:s31], [sflag:$0x1] =	stream.indirect_vreg.gather [hbm4b:s6+s2], $0x80, v4, vm0, $0xb8;
	[tilespmem:$0x10080] =	vst v63  }
0x9b: {  	s19 =	simm.s32 $0x6080  }
0x9c: {  	[tilespmem:s19], [sflag:$0x1] =	stream.indirect_vreg.gather [hbm4b:s3+s2], $0x80, v3, vm0, $0xb8;
	[tilespmem:$0x10080] =	vst v63  }
0x9d: {  	_ = 	snop  }
0x9e: {  	[tilespmem:s1], [sflag:$0x1] =	stream.indirect_vreg.gather [hbm4b:s4+s2], $0x80, v3, vm0, $0xb8;
	[tilespmem:$0x10080] =	vst v63  }
0x9f: {  	_ = 	snop  }
0xa0: {  	[tilespmem:s10], [sflag:$0x1] =	stream.indirect_vreg.gather [hbm4b:s5+s2], $0x80, v3, vm0, $0xb8;
	[tilespmem:$0x10080] =	vst v63  }
0xa1: {  	_ = 	snop  }
0xa2: {  	[tilespmem:s11], [sflag:$0x1] =	stream.indirect_vreg.gather [hbm4b:s6+s2], $0x80, v3, vm0, $0xb8;
	[tilespmem:$0x10080] =	vst v63  }
0xa3: {  	v3 =	vld [tilespmem:$0x20];
	_ =	sdelay $0x4  }
0xa4: {  	v62 =	vshll.u32 v3, $0x3  }
0xa5: {  	v3 =	vand.u32 $0x7, v3;
	v4 =	vand.u32 $0xFFFFFFC0, v62  }
0xa6: {  	v3 =	vor.u32 v3, v4  }
0xa7: {  	v4 =	vperm.xlane v3, v0;
	_ =	sdelay $0x1  }
0xa8: {  	v4 =	vadd.s32 v1, v4;
	_ =	sdelay $0x4  }
0xa9: {  	[tilespmem:s12], [sflag:$0x1] =	stream.indirect_vreg.gather [hbm4b:s3+s2], $0x80, v4, vm0, $0xb8;
	[tilespmem:$0x10080] =	vst v63  }
0xaa: {  	v3 =	vperm.xlane v3, v2  }
0xab: {  	[tilespmem:s13], [sflag:$0x1] =	stream.indirect_vreg.gather [hbm4b:s4+s2], $0x80, v4, vm0, $0xb8;
	[tilespmem:$0x10080] =	vst v63  }
0xac: {  	v3 =	vadd.s32 v1, v3  }
0xad: {  	[tilespmem:s14], [sflag:$0x1] =	stream.indirect_vreg.gather [hbm4b:s5+s2], $0x80, v4, vm0, $0xb8;
	[tilespmem:$0x10080] =	vst v63  }
0xae: {  	_ = 	snop  }
0xaf: {  	[tilespmem:s15], [sflag:$0x1] =	stream.indirect_vreg.gather [hbm4b:s6+s2], $0x80, v4, vm0, $0xb8;
	[tilespmem:$0x10080] =	vst v63  }
0xb0: {  	_ = 	snop  }
0xb1: {  	[tilespmem:s16], [sflag:$0x1] =	stream.indirect_vreg.gather [hbm4b:s3+s2], $0x80, v3, vm0, $0xb8;
	[tilespmem:$0x10080] =	vst v63  }
0xb2: {  	_ = 	snop  }
0xb3: {  	[tilespmem:s17], [sflag:$0x1] =	stream.indirect_vreg.gather [hbm4b:s4+s2], $0x80, v3, vm0, $0xb8;
	[tilespmem:$0x10080] =	vst v63  }
0xb4: {  	_ = 	snop  }
0xb5: {  	[tilespmem:s9], [sflag:$0x1] =	stream.indirect_vreg.gather [hbm4b:s5+s2], $0x80, v3, vm0, $0xb8;
	[tilespmem:$0x10080] =	vst v63  }
0xb6: {  	s19 =	simm.s32 $0xB880  }
0xb7: {  	[tilespmem:s19], [sflag:$0x1] =	stream.indirect_vreg.gather [hbm4b:s6+s2], $0x80, v3, vm0, $0xb8;
	[tilespmem:$0x10080] =	vst v63  }
0xb8: {  	v3 =	vld [tilespmem:$0x30];
	_ =	sdelay $0x4  }
0xb9: {  	v63 =	vshll.u32 v3, $0x3  }
0xba: {  	v3 =	vand.u32 $0x7, v3;
	v4 =	vand.u32 $0xFFFFFFC0, v63  }
0xbb: {  	v3 =	vor.u32 v3, v4  }
0xbc: {  	v4 =	vperm.xlane v3, v0;
	_ =	sdelay $0x1  }
0xbd: {  	v4 =	vadd.s32 v1, v4;
	_ =	sdelay $0x3  }
0xbe: {  	s19 =	simm.s32 $0xC080  }
0xbf: {  	[tilespmem:s19], [sflag:$0x1] =	stream.indirect_vreg.gather [hbm4b:s3+s2], $0x80, v4, vm0, $0xb8;
	[tilespmem:$0x10080] =	vst v63  }
0xc0: {  	v3 =	vperm.xlane v3, v2;
	s19 =	simm.s32 $0xC880  }
0xc1: {  	[tilespmem:s19], [sflag:$0x1] =	stream.indirect_vreg.gather [hbm4b:s4+s2], $0x80, v4, vm0, $0xb8;
	[tilespmem:$0x10080] =	vst v63  }
0xc2: {  	v3 =	vadd.s32 v1, v3;
	s19 =	simm.s32 $0xD080  }
0xc3: {  	[tilespmem:s19], [sflag:$0x1] =	stream.indirect_vreg.gather [hbm4b:s5+s2], $0x80, v4, vm0, $0xb8;
	[tilespmem:$0x10080] =	vst v63  }
0xc4: {  	s19 =	simm.s32 $0xD880  }
0xc5: {  	[tilespmem:s19], [sflag:$0x1] =	stream.indirect_vreg.gather [hbm4b:s6+s2], $0x80, v4, vm0, $0xb8;
	[tilespmem:$0x10080] =	vst v63  }
0xc6: {  	s19 =	simm.s32 $0xE080  }
0xc7: {  	[tilespmem:s19], [sflag:$0x1] =	stream.indirect_vreg.gather [hbm4b:s3+s2], $0x80, v3, vm0, $0xb8;
	[tilespmem:$0x10080] =	vst v63  }
0xc8: {  	s19 =	simm.s32 $0xE880  }
0xc9: {  	[tilespmem:s19], [sflag:$0x1] =	stream.indirect_vreg.gather [hbm4b:s4+s2], $0x80, v3, vm0, $0xb8;
	[tilespmem:$0x10080] =	vst v63  }
0xca: {  	s19 =	simm.s32 $0xF080  }
0xcb: {  	[tilespmem:s19], [sflag:$0x1] =	stream.indirect_vreg.gather [hbm4b:s5+s2], $0x80, v3, vm0, $0xb8;
	[tilespmem:$0x10080] =	vst v63  }
0xcc: {  	s19 =	simm.s32 $0xF880  }
0xcd: {  	[tilespmem:s19], [sflag:$0x1] =	stream.indirect_vreg.gather [hbm4b:s6+s2], $0x80, v3, vm0, $0xb8;
	[tilespmem:$0x10080] =	vst v63  }
0xce: {  	_ =	swait.ge [sflag:s18], $0x10000  }
0xcf: {  	p0 =	sne.s32 s7, $0x1;
	[sflag:s18] =	ssyncset.done $0x0  }
.Ltmp0:
0xd0: {  	s1 =	rddreg [dreg:$0x5];
	[sflag:s18] =	ssyncadd.s32 $0xFFFF0000;
	(pc) =	sbr.rel @p0 .LBB2_1-.Ltmp0, $4  }
0xd1: {  	[hbm4b:s1+s2] =	stream.linear.scatter [tilespmem:s0], [sflag:$0x2], $0x10000, $0x38;
	[tilespmem:$0x10080] =	vst v63  }
0xd2: {  	_ =	swait.ge [sflag:s8], $0x10000  }
0xd3: {  	[sflag:s8] =	ssyncset.done $0x0  }
0xd4: {  	s7 =	sadd.s32 $0xFFFFFFFF, s7;
	[sflag:s8] =	ssyncadd.s32 $0xFFFF0000  }
0xd5: {  	_ =	sfence.sel $0x180000  }
0xd6: {  	[bflag:$0x0] =	sbarrier.arrive $0xFFFF  }
0xd7: {  	_ =	strace $0x9000004A  }
0xd8: {  	s0 =	stileid.u32;
	[bflag:$0x2] =	sbarrier.arrive $0xFFFF  }
0xd9: {  	p0 =	sne.s32 s0, $0x0;
	s0 =	rddreg [dreg:$0x1]  }
0xda: {  	s0 =	sadd.s32 @!p0 $0x100000, s0  }
0xdb: {  	[sflag:s0] =	ssyncadd.tile.s32 @!p0 $0x1;
	_ =	shalt  }
.Lfunc_end2:
_tile_overlayer_lowered:
.L_overlay_start_2:
0xdc: {  	(tag) =	ssettag $0x2  }
0xdd: {  	s0 =	rddreg [dreg:$0x0];
	s2 =	stileid.u32  }
0xde: {  	s1 =	rddreg [dreg:$0x1];
	p0 =	sne.s32 s2, $0x0  }
0xdf: {  	s3 =	rddreg [dreg:$0x2];
	[bflag:$0x3] =	sbarrier.arrive $0xFFFF;
	s2 =	simm.s32 @!p0 $0x1C02  }
0xe0: {  	[timem:s3], [sflag:s2] =	dma.local @!p0 [hbm:s0], s1  }
0xe1: {  	s0 =	simm.s32 @!p0 $0x2  }
0xe2: {  	_ =	swait.ge @!p0 [sflag:s0], s1  }
0xe3: {  	s1 =	ssub.s32 @!p0 $0x0, s1;
	[sflag:s0] =	ssyncset.done @!p0 $0x0  }
0xe4: {  	[sflag:s0] =	ssyncadd.s32 @!p0 s1  }
0xe5: {  	[bflag:$0x3] =	sbarrier.arrive $0xFFFF  }
0xe6: {  	_ =	shalt  }

// kernel: kernel.7.cloned.1.call-start
scs
__scs_entry_jumppad:
0x0: {  	(pc) =	sbr.rel $0x88, $3  }
0x1: {  	(tag) =	ssettag $0x0;
	lr =	simm.s32 $0x1  }
0x2: {  	[smem:$0x3F99] =	sst lr;
	_ =	strace $0xD0000000  }
0x3: {  	_ = 	snop  }
0x4: {  	_ = 	snop  }
0x5: {  	_ = 	snop  }
0x6: {  	_ = 	snop  }
0x7: {  	_ = 	snop  }
__scs_overlays_trampoline_lowered:
0x8: {  	[smem:$0x3FA8] =	sst s0  }
0x9: {  	[smem:$0x3FA9] =	sst s1  }
0xa: {  	[smem:$0x3FAA] =	sst s2  }
0xb: {  	[smem:$0x3FAB] =	sst s3  }
0xc: {  	[smem:$0x3FAC] =	sst s4  }
0xd: {  	[smem:$0x3FAD] =	sst s5  }
0xe: {  	[smem:$0x3FAE] =	sst s6  }
0xf: {  	[smem:$0x3FAF] =	sst s7  }
0x10: {  	[smem:$0x3FB0] =	sst s8  }
0x11: {  	[smem:$0x3FB1] =	sst s9;
	s0 =	simm.s32 @!p0 $0x0  }
0x12: {  	s1 =	sld [smem:$0x3F97];
	s0 =	simm.s32 @p0 $0x1  }
0x13: {  	[smem:$0x3FB2] =	sst s0;
	s0 =	simm.s32 @!p1 $0x0  }
0x14: {  	s2 =	sld [smem:$0x3F96];
	s0 =	simm.s32 @p1 $0x1  }
0x15: {  	[smem:$0x3FB3] =	sst s0;
	s0 =	simm.s32 @!p2 $0x0  }
0x16: {  	s3 =	sld [smem:$0x3FDB];
	s0 =	simm.s32 @p2 $0x1  }
0x17: {  	s4 =	simm.s32 $0x1BF5;
	[smem:$0x3FB5] =	sst s0  }
0x18: {  	s0 =	sld [smem:$0x3F98];
	_ =	swait.ge [sflag:s4], $0x0  }
0x19: {  	s7 =	sld [smem:$0x3F99]  }
0x1a: {  	s8 =	sadd.s32 $0xFFFFE003, lr  }
0x1b: {  	s9 =	sadd.s32 $0xFFFFFEF7, lr;
	s5 =	simm.s32 $0xFFFFFFFF;
	p2 =	slt.u32 s8, $0xFFFFF086  }
0x1c: {  	p1 =	slt.u32 s9, $0xF7A;
	s5 =	simm.s32 @!p2 $0x0  }
0x1d: {  	s5 =	simm.s32 @p1 $0x1;
	p0 =	seq.s32 s7, s2  }
0x1e: {  	s7 =	smul.u32 @!p0 $0xF7A, s2;
	p2 =	seq.s32 @!p0 s5, $0x0  }
0x1f: {  	s9 =	smul.u32 $0xF7A, s1;
	s8 =	simm.s32 @!p0 $0x1BF5;
	p2 =	por !p2, p0  }
0x20: {  	[sflag:s8] =	ssyncset.s32 @!p0 $0xFFFFF086;
	s6 =	sadd.s32 @!p0 s3, s7;
	s7 =	simm.s32 @!p0 $0x108  }
0x21: {  	s3 =	sadd.s32 s3, s9;
	s6 =	sadd.s32 @!p0 $0x88, s6;
	s7 =	simm.s32 @p2 $0x1082  }
0x22: {  	[simem:s7], [sflag:s8] =	dma.local @!p0 [hbm:s6], $0xF7A  }
0x23: {  	s9 =	sor.u32 $0xD0000000, s2;
	s6 =	simm.s32 $0x108;
	_ =	swait.ge @!p0 [sflag:s8], $0x0  }
0x24: {  	s3 =	sadd.s32 $0x88, s3;
	s6 =	simm.s32 @!p1 $0x1082;
	[sflag:s4] =	ssyncset.s32 $0xFFFFF086  }
0x25: {  	[simem:s6], [sflag:s4] =	dma.local [hbm:s3], $0xF7A  }
0x26: {  	[smem:$0x3F99] =	sst s1;
	(tag) =	ssettag s2;
	_ =	strace s9  }
0x27: {  	s1 =	sld [smem:$0x3FA9]  }
0x28: {  	s2 =	sld [smem:$0x3FAA]  }
0x29: {  	s4 =	sld [smem:$0x3FAC]  }
0x2a: {  	p0 =	seq.s32 s5, $0x0;
	s5 =	sld [smem:$0x3FAD]  }
0x2b: {  	s6 =	sld [smem:$0x3FAE]  }
0x2c: {  	s7 =	sld [smem:$0x3FAF]  }
0x2d: {  	s3 =	simm.s32 $0x108;
	s8 =	sld [smem:$0x3FB0]  }
0x2e: {  	s3 =	simm.s32 @!p0 $0x1082;
	s9 =	sld [smem:$0x3FB1]  }
0x2f: {  	lr =	sadd.s32 s0, s3;
	s0 =	sld [smem:$0x3FA8]  }
0x30: {  	s3 =	sld [smem:$0x3FAB]  }
0x31: {  	[smem:$0x3FB4] =	sst s10  }
0x32: {  	s10 =	sld [smem:$0x3FB2];
	_ =	sdelay $0x3  }
0x33: {  	p0 =	seq.s32 s10, $0x1;
	s10 =	sld [smem:$0x3FB4];
	_ =	sdelay $0x3  }
0x34: {  	[smem:$0x3FB4] =	sst s10  }
0x35: {  	s10 =	sld [smem:$0x3FB3];
	_ =	sdelay $0x3  }
0x36: {  	p1 =	seq.s32 s10, $0x1;
	s10 =	sld [smem:$0x3FB4];
	_ =	sdelay $0x3  }
0x37: {  	[smem:$0x3FB4] =	sst s10  }
0x38: {  	s10 =	sld [smem:$0x3FB5]  }
0x39: {  	_ = 	snop;
	(pc) =	sbr.ind lr, $3  }
0x3a: {  	_ = 	snop  }
0x3b: {  	_ = 	snop  }
0x3c: {  	p2 =	seq.s32 s10, $0x1;
	s10 =	sld [smem:$0x3FB4]  }
0x3d: {  	_ =	shalt  }
0x3e: {  	_ =	shalt  }
0x3f: {  	_ =	shalt  }
0x40: {  	_ =	shalt  }
0x41: {  	_ =	shalt  }
0x42: {  	_ =	shalt  }
0x43: {  	_ =	shalt  }
0x44: {  	_ =	shalt  }
0x45: {  	_ =	shalt  }
0x46: {  	_ =	shalt  }
0x47: {  	_ =	shalt  }
0x48: {  	_ =	shalt  }
0x49: {  	_ =	shalt  }
0x4a: {  	_ =	shalt  }
0x4b: {  	_ =	shalt  }
0x4c: {  	_ =	shalt  }
0x4d: {  	_ =	shalt  }
0x4e: {  	_ =	shalt  }
0x4f: {  	_ =	shalt  }
0x50: {  	_ =	shalt  }
0x51: {  	_ =	shalt  }
0x52: {  	_ =	shalt  }
0x53: {  	_ =	shalt  }
0x54: {  	_ =	shalt  }
0x55: {  	_ =	shalt  }
0x56: {  	_ =	shalt  }
0x57: {  	_ =	shalt  }
0x58: {  	_ =	shalt  }
0x59: {  	_ =	shalt  }
0x5a: {  	_ =	shalt  }
0x5b: {  	_ =	shalt  }
0x5c: {  	_ =	shalt  }
0x5d: {  	_ =	shalt  }
0x5e: {  	_ =	shalt  }
0x5f: {  	_ =	shalt  }
0x60: {  	_ =	shalt  }
0x61: {  	_ =	shalt  }
0x62: {  	_ =	shalt  }
0x63: {  	_ =	shalt  }
0x64: {  	_ =	shalt  }
0x65: {  	_ =	shalt  }
0x66: {  	_ =	shalt  }
0x67: {  	_ =	shalt  }
0x68: {  	_ =	shalt  }
0x69: {  	_ =	shalt  }
0x6a: {  	_ =	shalt  }
0x6b: {  	_ =	shalt  }
0x6c: {  	_ =	shalt  }
0x6d: {  	_ =	shalt  }
0x6e: {  	_ =	shalt  }
0x6f: {  	_ =	shalt  }
0x70: {  	_ =	shalt  }
0x71: {  	_ =	shalt  }
0x72: {  	_ =	shalt  }
0x73: {  	_ =	shalt  }
0x74: {  	_ =	shalt  }
0x75: {  	_ =	shalt  }
0x76: {  	_ =	shalt  }
0x77: {  	_ =	shalt  }
0x78: {  	_ =	shalt  }
0x79: {  	_ =	shalt  }
0x7a: {  	_ =	shalt  }
0x7b: {  	_ =	shalt  }
0x7c: {  	_ =	shalt  }
0x7d: {  	_ =	shalt  }
0x7e: {  	_ =	shalt  }
0x7f: {  	_ =	shalt  }
0x80: {  	_ =	shalt  }
0x81: {  	_ =	shalt  }
0x82: {  	_ =	shalt  }
0x83: {  	_ =	shalt  }
0x84: {  	_ =	shalt  }
0x85: {  	_ =	shalt  }
0x86: {  	_ =	shalt  }
0x87: {  	_ =	shalt  }
.Lfunc_end0:
.L_simem_size_0:
called_computation_lowered:
.L_overlay_start_0:
0x88: {  	s2 =	sld [smem:$0x3FD9]  }
0x89: {  	s3 =	sld [smem:$0x3FFE];
	_ =	sdelay $0x1  }
0x8a: {  	s1 =	srdreg.scid  }
0x8b: {  	s0 =	sand.u32 $0x1, s1  }
0x8c: {  	s17 =	sshll.u32 s0, $0xA;
	s2 =	sadd.s32 s3, s2  }
0x8d: {  	s2 =	sadd.s32 s2, s17  }
0x8e: {  	[smem:$0x3FC0] =	sst s2  }
0x8f: {  	_ = 	snop  }
0x90: {  	s2 =	sld [smem:$0x3FD0];
	(tm) =	ssettm $0x1  }
0x91: {  	s18 =	sld [smem:$0x3FFB];
	_ =	sdelay $0x3  }
0x92: {  	_ =	strace s18  }
0x93: {  	s3 =	sld [smem:$0x3FFC];
	_ =	sdelay $0x3  }
0x94: {  	_ =	strace s3  }
0x95: {  	s3 =	sld [smem:$0x3FFD];
	_ =	sdelay $0x3  }
0x96: {  	_ =	strace s3  }
0x97: {  	_ =	strace $0x8FFFFFFF  }
0x98: {  	s19 =	sld [smem:$0x3FDB];
	_ =	sdelay $0x1  }
0x99: {  	s4 =	simm.s32 $_scs_section_size  }
0x9a: {  	s5 =	simm.s32 $_size__tile_overlayer_lowered;
	s6 =	simm.s32 $_tile_overlayer_lowered  }
0x9b: {  	s22 =	simm.s32 $0x1BFF;
	s21 =	sshll.u32 s6, $0x1;
	s3 =	sadd.s32 s4, s19  }
0x9c: {  	s7 =	simm.s32 $0x0;
	s20 =	sshll.u32 s5, $0x1;
	s5 =	sadd.s32 s21, s3  }
0x9d: {  	[timem:s7], [sflag:s22] =	dma.local [hbm:s5], s20  }
0x9e: {  	_ =	swait.ge [sflag:s22], s20  }
0x9f: {  	s4 =	ssub.s32 $0x0, s20;
	[sflag:s22] =	ssyncset.done $0x0  }
0xa0: {  	[sflag:s22] =	ssyncadd.s32 s4;
	_ =	sdelay $0x1  }
0xa1: {  	s23 =	simm.s32 $0x1B8B  }
0xa2: {  	_ =	swait.ge [sflag:s23], $0x1  }
0xa3: {  	[sflag:s23] =	ssyncset.done $0x0  }
0xa4: {  	s25 =	simm.s32 $0x1B8E;
	s24 =	sld [smem:$0x3FFE];
	[sflag:s23] =	ssyncadd.s32 $0xFFFFFFFF  }
0xa5: {  	s26 =	simm.s32 $execute0_lowered;
	[smem:$0x3FD2] =	sst s25  }
0xa6: {  	s5 =	sshll.u32 s26, $0x1;
	_ =	strace $0x80000046;
	[dreg:$0x1] =	wrdreg $0xFFFFFFFF  }
0xa7: {  	s28 =	simm.s32 $_size_execute0_lowered;
	s3 =	sadd.s32 s3, s5;
	[dreg:$0x0] =	wrdreg $0x0  }
0xa8: {  	s5 =	sshll.u32 s28, $0x1;
	[dreg:$0x2] =	wrdreg s3  }
0xa9: {  	[dreg:$0x3] =	wrdreg s5  }
0xaa: {  	[dreg:$0x4] =	wrdreg $0xC0  }
0xab: {  	_ =	task [dreg:s7], $0x5FFFF  }
0xac: {  	[dreg:$0x1] =	wrdreg $0xFFFFFFFF  }
0xad: {  	[dreg:$0x0] =	wrdreg $0x60  }
0xae: {  	[dreg:$0x2] =	wrdreg s2  }
0xaf: {  	[dreg:$0x3] =	wrdreg s24  }
0xb0: {  	[dreg:$0x4] =	wrdreg $0x9  }
0xb1: {  	_ =	task.clear_ibuf [dreg:s7], $0x5FFFF;
	_ =	strace $0x90000046  }
0xb2: {  	s29 =	simm.s32 $0x9;
	_ =	strace $0x80000048  }
0xb3: {  	_ =	swait.ge [sflag:s29], $0x1  }
0xb4: {  	[sflag:s29] =	ssyncadd.s32 $0xFFFFFFFF  }
0xb5: {  	_ =	strace $0x90000048  }
0xb6: {  	_ =	sfence  }
0xb7: {  	s30 =	sld [smem:$0x0];
	_ =	sdelay $0x2  }
0xb8: {  	s31 =	sshll.u32 s1, $0xD;
	s1 =	sshrl.u32 s1, $0x2  }
0xb9: {  	s3 =	sand.u32 $0x4000, s31;
	s1 =	sadd.s32 s1, s30  }
0xba: {  	s0 =	sor.u32 s3, s0;
	s1 =	sshll.u32 s1, $0x11  }
0xbb: {  	s0 =	sor.u32 s1, s0  }
0xbc: {  	s0 =	sadd.s32 $0x8F2B, s0  }
0xbd: {  	[sflag:s0] =	ssyncadd.remote.s32 $0x1  }
0xbe: {  	_ =	sfence.sel $0xFFFF  }
0xbf: {  	[dreg:$0x0] =	wrdreg $0xFFFFFFFF;
	(pc) =	sbr.abs _section_cstart, $3  }
0xc0: {  	[dreg:$0x1] =	wrdreg $0xFFFFFFFF  }
0xc1: {  	_ =	task.clear_ibuf [dreg:s7], $0x2FFFF;
	_ =	strace $0x9FFFFFFF  }
0xc2: {  	(tm) =	ssettm $0x7FFFFFFF  }
0xc3: {  	_ =	shalt  }
tec
execute0_lowered:
.L_overlay_start_1:
0x0: {  	(tag) =	ssettag $0x1  }
0x1: {  	s0 =	srdreg.scid  }
0x2: {  	s1 =	rddreg [dreg:$0x0];
	s2 =	stileid.u32  }
0x3: {  	s6 =	rddreg [dreg:$0x1];
	s8 =	simm.s32 $0x2;
	s17 =	simm.s32 $0x1  }
0x4: {  	s19 =	simm.s32 $0x10000;
	s20 =	simm.s32 $0x800;
	s21 =	simm.s32 $0x1000  }
0x5: {  	s22 =	simm.s32 $0x1800;
	s28 =	simm.s32 $0x4000;
	s29 =	simm.s32 $0x4800  }
0x6: {  	s30 =	simm.s32 $0x5000;
	s31 =	simm.s32 $0x5800;
	s9 =	simm.s32 $0x7000  }
0x7: {  	s10 =	simm.s32 $0x7800;
	s11 =	simm.s32 $0x8000;
	s12 =	simm.s32 $0x8800  }
0x8: {  	s13 =	simm.s32 $0x9000;
	s14 =	simm.s32 $0x9800;
	s15 =	simm.s32 $0xA000  }
0x9: {  	s16 =	simm.s32 $0xA800;
	s0 =	sand.u32 $0x1, s0;
	s3 =	sshll.u32 s2, $0x7  }
0xa: {  	s2 =	simm.s32 $0x0;
	s5 =	sadd.s32 $0x2200, s6;
	s4 =	sshll.u32 s0, $0x6  }
0xb: {  	[smem:$0x7FF] =	sst s2;
	s0 =	ssub.s32 $0x2, s0;
	s3 =	sor.u32 s4, s3  }
0xc: {  	_ =	strace $0x80000047;
	s24 =	sshrl.u32 s0, $0x1;
	s4 =	sshrl.u32 s3, $0x3  }
0xd: {  	s23 =	sshll.u32 s3, $0x7;
	s3 =	sadd.s32 $0x2000, s6;
	s0 =	ssub.s32 s0, s24  }
0xe: {  	s24 =	simm.s32 $0x2800;
	s7 =	sadd.s32 s4, s6;
	s1 =	sadd.s32 s1, s23  }
0xf: {  	s4 =	sadd.s32 $0x2100, s6;
	s6 =	sadd.s32 $0x2300, s6;
	s23 =	simm.s32 $0x2000  }
0x10: {  	v2 =	vlaneseq.u32;
	[dreg:$0x3] =	wrdreg s1;
	s25 =	sadd.s32 $0x1E00, s7;
	s26 =	sadd.s32 $0x1C00, s7  }
0x11: {  	vm0 =	vmmov $0xffff;
	v1 =	vshrl.u32 v2, $0x3;
	s7 =	smax.u32 s0, $0x1;
	s1 =	simm.s32 $0x6000;
	[dreg:$0x4] =	wrdreg s25  }
0x12: {  	v0 =	vand.u32 $0x7, v2;
	v2 =	vor.u32 $0x8, v2;
	v1 =	vmul.u32 $0x8, v1;
	[dreg:$0x5] =	wrdreg s26;
	s25 =	simm.s32 $0x3000;
	s26 =	simm.s32 $0x3800  }
.LBB2_1:
0x13: {  	s18 =	rddreg [dreg:$0x3]  }
0x14: {  	[tilespmem:s2], [sflag:$0x2] =	stream.linear.gather [hbm4b:s18+s2], $0x10000, $0x38;
	[tilespmem:$0x10080] =	vst v63  }
0x15: {  	_ =	swait.ge [sflag:s8], $0x10000  }
0x16: {  	[sflag:s8] =	ssyncset.done $0x0  }
0x17: {  	s0 =	rddreg [dreg:$0x4];
	[sflag:s8] =	ssyncadd.s32 $0xFFFF0000  }
0x18: {  	[tilespmem:s19], [sflag:$0x2] =	stream.linear.gather [hbm4b:s0+s2], $0x40, $0x38;
	[tilespmem:$0x10080] =	vst v63  }
0x19: {  	_ =	swait.ge [sflag:s8], $0x40  }
0x1a: {  	[sflag:s8] =	ssyncset.done $0x0  }
0x1b: {  	[sflag:s8] =	ssyncadd.s32 $0xFFFFFFC0  }
0x1c: {  	v3 =	vld [tilespmem:$0x10000];
	_ =	sdelay $0x4  }
0x1d: {  	v4 =	vshll.u32 v3, $0x3  }
0x1e: {  	v3 =	vand.u32 $0x7, v3;
	v4 =	vand.u32 $0xFFFFFFC0, v4  }
0x1f: {  	v3 =	vor.u32 v3, v4  }
0x20: {  	v4 =	vperm.xlane v3, v0;
	_ =	sdelay $0x1  }
0x21: {  	v4 =	vadd.s32 v1, v4;
	_ =	sdelay $0x4  }
0x22: {  	[hbm4b:s3+s2] =	stream.indirect_vreg.scatter [tilespmem:s2], [sflag:$0x1], $0x80, v4, vm0, $0xb8;
	[tilespmem:$0x10080] =	vst v63  }
0x23: {  	v3 =	vperm.xlane v3, v2  }
0x24: {  	[hbm4b:s4+s2] =	stream.indirect_vreg.scatter [tilespmem:s20], [sflag:$0x1], $0x80, v4, vm0, $0xb8;
	[tilespmem:$0x10080] =	vst v63  }
0x25: {  	v3 =	vadd.s32 v1, v3  }
0x26: {  	[hbm4b:s5+s2] =	stream.indirect_vreg.scatter [tilespmem:s21], [sflag:$0x1], $0x80, v4, vm0, $0xb8;
	[tilespmem:$0x10080] =	vst v63  }
0x27: {  	_ = 	snop  }
0x28: {  	[hbm4b:s6+s2] =	stream.indirect_vreg.scatter [tilespmem:s22], [sflag:$0x1], $0x80, v4, vm0, $0xb8;
	[tilespmem:$0x10080] =	vst v63  }
0x29: {  	_ = 	snop  }
0x2a: {  	[hbm4b:s3+s2] =	stream.indirect_vreg.scatter [tilespmem:s23], [sflag:$0x1], $0x80, v3, vm0, $0xb8;
	[tilespmem:$0x10080] =	vst v63  }
0x2b: {  	_ = 	snop  }
0x2c: {  	[hbm4b:s4+s2] =	stream.indirect_vreg.scatter [tilespmem:s24], [sflag:$0x1], $0x80, v3, vm0, $0xb8;
	[tilespmem:$0x10080] =	vst v63  }
0x2d: {  	_ = 	snop  }
0x2e: {  	[hbm4b:s5+s2] =	stream.indirect_vreg.scatter [tilespmem:s25], [sflag:$0x1], $0x80, v3, vm0, $0xb8;
	[tilespmem:$0x10080] =	vst v63  }
0x2f: {  	_ = 	snop  }
0x30: {  	[hbm4b:s6+s2] =	stream.indirect_vreg.scatter [tilespmem:s26], [sflag:$0x1], $0x80, v3, vm0, $0xb8;
	[tilespmem:$0x10080] =	vst v63  }
0x31: {  	v3 =	vld [tilespmem:$0x10010];
	_ =	sdelay $0x4  }
0x32: {  	v57 =	vshll.u32 v3, $0x3  }
0x33: {  	v3 =	vand.u32 $0x7, v3;
	v4 =	vand.u32 $0xFFFFFFC0, v57  }
0x34: {  	v3 =	vor.u32 v3, v4  }
0x35: {  	v4 =	vperm.xlane v3, v0;
	_ =	sdelay $0x1  }
0x36: {  	v4 =	vadd.s32 v1, v4;
	_ =	sdelay $0x4  }
0x37: {  	[hbm4b:s3+s2] =	stream.indirect_vreg.scatter [tilespmem:s28], [sflag:$0x1], $0x80, v4, vm0, $0xb8;
	[tilespmem:$0x10080] =	vst v63  }
0x38: {  	v3 =	vperm.xlane v3, v2  }
0x39: {  	[hbm4b:s4+s2] =	stream.indirect_vreg.scatter [tilespmem:s29], [sflag:$0x1], $0x80, v4, vm0, $0xb8;
	[tilespmem:$0x10080] =	vst v63  }
0x3a: {  	v3 =	vadd.s32 v1, v3  }
0x3b: {  	[hbm4b:s5+s2] =	stream.indirect_vreg.scatter [tilespmem:s30], [sflag:$0x1], $0x80, v4, vm0, $0xb8;
	[tilespmem:$0x10080] =	vst v63  }
0x3c: {  	_ = 	snop  }
0x3d: {  	[hbm4b:s6+s2] =	stream.indirect_vreg.scatter [tilespmem:s31], [sflag:$0x1], $0x80, v4, vm0, $0xb8;
	[tilespmem:$0x10080] =	vst v63  }
0x3e: {  	_ = 	snop  }
0x3f: {  	[hbm4b:s3+s2] =	stream.indirect_vreg.scatter [tilespmem:s1], [sflag:$0x1], $0x80, v3, vm0, $0xb8;
	[tilespmem:$0x10080] =	vst v63  }
0x40: {  	s0 =	simm.s32 $0x6800  }
0x41: {  	[hbm4b:s4+s2] =	stream.indirect_vreg.scatter [tilespmem:s0], [sflag:$0x1], $0x80, v3, vm0, $0xb8;
	[tilespmem:$0x10080] =	vst v63  }
0x42: {  	_ = 	snop  }
0x43: {  	[hbm4b:s5+s2] =	stream.indirect_vreg.scatter [tilespmem:s9], [sflag:$0x1], $0x80, v3, vm0, $0xb8;
	[tilespmem:$0x10080] =	vst v63  }
0x44: {  	_ = 	snop  }
0x45: {  	[hbm4b:s6+s2] =	stream.indirect_vreg.scatter [tilespmem:s10], [sflag:$0x1], $0x80, v3, vm0, $0xb8;
	[tilespmem:$0x10080] =	vst v63  }
0x46: {  	v3 =	vld [tilespmem:$0x10020];
	_ =	sdelay $0x4  }
0x47: {  	v58 =	vshll.u32 v3, $0x3  }
0x48: {  	v3 =	vand.u32 $0x7, v3;
	v4 =	vand.u32 $0xFFFFFFC0, v58  }
0x49: {  	v3 =	vor.u32 v3, v4  }
0x4a: {  	v4 =	vperm.xlane v3, v0;
	_ =	sdelay $0x1  }
0x4b: {  	v4 =	vadd.s32 v1, v4;
	_ =	sdelay $0x4  }
0x4c: {  	[hbm4b:s3+s2] =	stream.indirect_vreg.scatter [tilespmem:s11], [sflag:$0x1], $0x80, v4, vm0, $0xb8;
	[tilespmem:$0x10080] =	vst v63  }
0x4d: {  	v3 =	vperm.xlane v3, v2  }
0x4e: {  	[hbm4b:s4+s2] =	stream.indirect_vreg.scatter [tilespmem:s12], [sflag:$0x1], $0x80, v4, vm0, $0xb8;
	[tilespmem:$0x10080] =	vst v63  }
0x4f: {  	v3 =	vadd.s32 v1, v3  }
0x50: {  	[hbm4b:s5+s2] =	stream.indirect_vreg.scatter [tilespmem:s13], [sflag:$0x1], $0x80, v4, vm0, $0xb8;
	[tilespmem:$0x10080] =	vst v63  }
0x51: {  	_ = 	snop  }
0x52: {  	[hbm4b:s6+s2] =	stream.indirect_vreg.scatter [tilespmem:s14], [sflag:$0x1], $0x80, v4, vm0, $0xb8;
	[tilespmem:$0x10080] =	vst v63  }
0x53: {  	_ = 	snop  }
0x54: {  	[hbm4b:s3+s2] =	stream.indirect_vreg.scatter [tilespmem:s15], [sflag:$0x1], $0x80, v3, vm0, $0xb8;
	[tilespmem:$0x10080] =	vst v63  }
0x55: {  	_ = 	snop  }
0x56: {  	[hbm4b:s4+s2] =	stream.indirect_vreg.scatter [tilespmem:s16], [sflag:$0x1], $0x80, v3, vm0, $0xb8;
	[tilespmem:$0x10080] =	vst v63  }
0x57: {  	s18 =	simm.s32 $0xB000  }
0x58: {  	[hbm4b:s5+s2] =	stream.indirect_vreg.scatter [tilespmem:s18], [sflag:$0x1], $0x80, v3, vm0, $0xb8;
	[tilespmem:$0x10080] =	vst v63  }
0x59: {  	s18 =	simm.s32 $0xB800  }
0x5a: {  	[hbm4b:s6+s2] =	stream.indirect_vreg.scatter [tilespmem:s18], [sflag:$0x1], $0x80, v3, vm0, $0xb8;
	[tilespmem:$0x10080] =	vst v63  }
0x5b: {  	v3 =	vld [tilespmem:$0x10030];
	_ =	sdelay $0x4  }
0x5c: {  	v59 =	vshll.u32 v3, $0x3  }
0x5d: {  	v3 =	vand.u32 $0x7, v3;
	v4 =	vand.u32 $0xFFFFFFC0, v59  }
0x5e: {  	v3 =	vor.u32 v3, v4  }
0x5f: {  	v4 =	vperm.xlane v3, v0;
	_ =	sdelay $0x1  }
0x60: {  	v4 =	vadd.s32 v1, v4;
	_ =	sdelay $0x3  }
0x61: {  	s18 =	simm.s32 $0xC000  }
0x62: {  	[hbm4b:s3+s2] =	stream.indirect_vreg.scatter [tilespmem:s18], [sflag:$0x1], $0x80, v4, vm0, $0xb8;
	[tilespmem:$0x10080] =	vst v63  }
0x63: {  	v3 =	vperm.xlane v3, v2;
	s18 =	simm.s32 $0xC800  }
0x64: {  	[hbm4b:s4+s2] =	stream.indirect_vreg.scatter [tilespmem:s18], [sflag:$0x1], $0x80, v4, vm0, $0xb8;
	[tilespmem:$0x10080] =	vst v63  }
0x65: {  	v3 =	vadd.s32 v1, v3;
	s18 =	simm.s32 $0xD000  }
0x66: {  	[hbm4b:s5+s2] =	stream.indirect_vreg.scatter [tilespmem:s18], [sflag:$0x1], $0x80, v4, vm0, $0xb8;
	[tilespmem:$0x10080] =	vst v63  }
0x67: {  	s18 =	simm.s32 $0xD800  }
0x68: {  	[hbm4b:s6+s2] =	stream.indirect_vreg.scatter [tilespmem:s18], [sflag:$0x1], $0x80, v4, vm0, $0xb8;
	[tilespmem:$0x10080] =	vst v63  }
0x69: {  	s18 =	simm.s32 $0xE000  }
0x6a: {  	[hbm4b:s3+s2] =	stream.indirect_vreg.scatter [tilespmem:s18], [sflag:$0x1], $0x80, v3, vm0, $0xb8;
	[tilespmem:$0x10080] =	vst v63  }
0x6b: {  	s18 =	simm.s32 $0xE800  }
0x6c: {  	[hbm4b:s4+s2] =	stream.indirect_vreg.scatter [tilespmem:s18], [sflag:$0x1], $0x80, v3, vm0, $0xb8;
	[tilespmem:$0x10080] =	vst v63  }
0x6d: {  	s18 =	simm.s32 $0xF000  }
0x6e: {  	[hbm4b:s5+s2] =	stream.indirect_vreg.scatter [tilespmem:s18], [sflag:$0x1], $0x80, v3, vm0, $0xb8;
	[tilespmem:$0x10080] =	vst v63  }
0x6f: {  	s18 =	simm.s32 $0xF800  }
0x70: {  	[hbm4b:s6+s2] =	stream.indirect_vreg.scatter [tilespmem:s18], [sflag:$0x1], $0x80, v3, vm0, $0xb8;
	[tilespmem:$0x10080] =	vst v63  }
0x71: {  	_ =	swait.ge [sflag:s17], $0x10000  }
0x72: {  	[sflag:s17] =	ssyncset.done $0x0  }
0x73: {  	s18 =	rddreg [dreg:$0x5];
	[sflag:s17] =	ssyncadd.s32 $0xFFFF0000  }
0x74: {  	[tilespmem:s19], [sflag:$0x2] =	stream.linear.gather [hbm4b:s18+s2], $0x40, $0x38;
	[tilespmem:$0x10080] =	vst v63  }
0x75: {  	_ =	swait.ge [sflag:s8], $0x40  }
0x76: {  	[sflag:s8] =	ssyncset.done $0x0  }
0x77: {  	[sflag:s8] =	ssyncadd.s32 $0xFFFFFFC0  }
0x78: {  	v3 =	vld [tilespmem:$0x10000];
	_ =	sdelay $0x4  }
0x79: {  	v60 =	vshll.u32 v3, $0x3  }
0x7a: {  	v3 =	vand.u32 $0x7, v3;
	v4 =	vand.u32 $0xFFFFFFC0, v60  }
0x7b: {  	v3 =	vor.u32 v3, v4  }
0x7c: {  	v4 =	vperm.xlane v3, v0;
	_ =	sdelay $0x1  }
0x7d: {  	v4 =	vadd.s32 v1, v4;
	_ =	sdelay $0x4  }
0x7e: {  	[hbm4b:s3+s2] =	stream.indirect_vreg.scatter [tilespmem:s2], [sflag:$0x1], $0x80, v4, vm0, $0xb8;
	[tilespmem:$0x10080] =	vst v63  }
0x7f: {  	v3 =	vperm.xlane v3, v2  }
0x80: {  	[hbm4b:s4+s2] =	stream.indirect_vreg.scatter [tilespmem:s20], [sflag:$0x1], $0x80, v4, vm0, $0xb8;
	[tilespmem:$0x10080] =	vst v63  }
0x81: {  	v3 =	vadd.s32 v1, v3  }
0x82: {  	[hbm4b:s5+s2] =	stream.indirect_vreg.scatter [tilespmem:s21], [sflag:$0x1], $0x80, v4, vm0, $0xb8;
	[tilespmem:$0x10080] =	vst v63  }
0x83: {  	_ = 	snop  }
0x84: {  	[hbm4b:s6+s2] =	stream.indirect_vreg.scatter [tilespmem:s22], [sflag:$0x1], $0x80, v4, vm0, $0xb8;
	[tilespmem:$0x10080] =	vst v63  }
0x85: {  	_ = 	snop  }
0x86: {  	[hbm4b:s3+s2] =	stream.indirect_vreg.scatter [tilespmem:s23], [sflag:$0x1], $0x80, v3, vm0, $0xb8;
	[tilespmem:$0x10080] =	vst v63  }
0x87: {  	_ = 	snop  }
0x88: {  	[hbm4b:s4+s2] =	stream.indirect_vreg.scatter [tilespmem:s24], [sflag:$0x1], $0x80, v3, vm0, $0xb8;
	[tilespmem:$0x10080] =	vst v63  }
0x89: {  	_ = 	snop  }
0x8a: {  	[hbm4b:s5+s2] =	stream.indirect_vreg.scatter [tilespmem:s25], [sflag:$0x1], $0x80, v3, vm0, $0xb8;
	[tilespmem:$0x10080] =	vst v63  }
0x8b: {  	_ = 	snop  }
0x8c: {  	[hbm4b:s6+s2] =	stream.indirect_vreg.scatter [tilespmem:s26], [sflag:$0x1], $0x80, v3, vm0, $0xb8;
	[tilespmem:$0x10080] =	vst v63  }
0x8d: {  	v3 =	vld [tilespmem:$0x10010];
	_ =	sdelay $0x4  }
0x8e: {  	v61 =	vshll.u32 v3, $0x3  }
0x8f: {  	v3 =	vand.u32 $0x7, v3;
	v4 =	vand.u32 $0xFFFFFFC0, v61  }
0x90: {  	v3 =	vor.u32 v3, v4  }
0x91: {  	v4 =	vperm.xlane v3, v0;
	_ =	sdelay $0x1  }
0x92: {  	v4 =	vadd.s32 v1, v4;
	_ =	sdelay $0x4  }
0x93: {  	[hbm4b:s3+s2] =	stream.indirect_vreg.scatter [tilespmem:s28], [sflag:$0x1], $0x80, v4, vm0, $0xb8;
	[tilespmem:$0x10080] =	vst v63  }
0x94: {  	v3 =	vperm.xlane v3, v2  }
0x95: {  	[hbm4b:s4+s2] =	stream.indirect_vreg.scatter [tilespmem:s29], [sflag:$0x1], $0x80, v4, vm0, $0xb8;
	[tilespmem:$0x10080] =	vst v63  }
0x96: {  	v3 =	vadd.s32 v1, v3  }
0x97: {  	[hbm4b:s5+s2] =	stream.indirect_vreg.scatter [tilespmem:s30], [sflag:$0x1], $0x80, v4, vm0, $0xb8;
	[tilespmem:$0x10080] =	vst v63  }
0x98: {  	_ = 	snop  }
0x99: {  	[hbm4b:s6+s2] =	stream.indirect_vreg.scatter [tilespmem:s31], [sflag:$0x1], $0x80, v4, vm0, $0xb8;
	[tilespmem:$0x10080] =	vst v63  }
0x9a: {  	_ = 	snop  }
0x9b: {  	[hbm4b:s3+s2] =	stream.indirect_vreg.scatter [tilespmem:s1], [sflag:$0x1], $0x80, v3, vm0, $0xb8;
	[tilespmem:$0x10080] =	vst v63  }
0x9c: {  	_ = 	snop  }
0x9d: {  	[hbm4b:s4+s2] =	stream.indirect_vreg.scatter [tilespmem:s0], [sflag:$0x1], $0x80, v3, vm0, $0xb8;
	[tilespmem:$0x10080] =	vst v63  }
0x9e: {  	_ = 	snop  }
0x9f: {  	[hbm4b:s5+s2] =	stream.indirect_vreg.scatter [tilespmem:s9], [sflag:$0x1], $0x80, v3, vm0, $0xb8;
	[tilespmem:$0x10080] =	vst v63  }
0xa0: {  	_ = 	snop  }
0xa1: {  	[hbm4b:s6+s2] =	stream.indirect_vreg.scatter [tilespmem:s10], [sflag:$0x1], $0x80, v3, vm0, $0xb8;
	[tilespmem:$0x10080] =	vst v63  }
0xa2: {  	v3 =	vld [tilespmem:$0x10020];
	_ =	sdelay $0x4  }
0xa3: {  	v62 =	vshll.u32 v3, $0x3  }
0xa4: {  	v3 =	vand.u32 $0x7, v3;
	v4 =	vand.u32 $0xFFFFFFC0, v62  }
0xa5: {  	v3 =	vor.u32 v3, v4  }
0xa6: {  	v4 =	vperm.xlane v3, v0;
	_ =	sdelay $0x1  }
0xa7: {  	v4 =	vadd.s32 v1, v4;
	_ =	sdelay $0x4  }
0xa8: {  	[hbm4b:s3+s2] =	stream.indirect_vreg.scatter [tilespmem:s11], [sflag:$0x1], $0x80, v4, vm0, $0xb8;
	[tilespmem:$0x10080] =	vst v63  }
0xa9: {  	v3 =	vperm.xlane v3, v2  }
0xaa: {  	[hbm4b:s4+s2] =	stream.indirect_vreg.scatter [tilespmem:s12], [sflag:$0x1], $0x80, v4, vm0, $0xb8;
	[tilespmem:$0x10080] =	vst v63  }
0xab: {  	v3 =	vadd.s32 v1, v3  }
0xac: {  	[hbm4b:s5+s2] =	stream.indirect_vreg.scatter [tilespmem:s13], [sflag:$0x1], $0x80, v4, vm0, $0xb8;
	[tilespmem:$0x10080] =	vst v63  }
0xad: {  	_ = 	snop  }
0xae: {  	[hbm4b:s6+s2] =	stream.indirect_vreg.scatter [tilespmem:s14], [sflag:$0x1], $0x80, v4, vm0, $0xb8;
	[tilespmem:$0x10080] =	vst v63  }
0xaf: {  	_ = 	snop  }
0xb0: {  	[hbm4b:s3+s2] =	stream.indirect_vreg.scatter [tilespmem:s15], [sflag:$0x1], $0x80, v3, vm0, $0xb8;
	[tilespmem:$0x10080] =	vst v63  }
0xb1: {  	_ = 	snop  }
0xb2: {  	[hbm4b:s4+s2] =	stream.indirect_vreg.scatter [tilespmem:s16], [sflag:$0x1], $0x80, v3, vm0, $0xb8;
	[tilespmem:$0x10080] =	vst v63  }
0xb3: {  	s18 =	simm.s32 $0xB000  }
0xb4: {  	[hbm4b:s5+s2] =	stream.indirect_vreg.scatter [tilespmem:s18], [sflag:$0x1], $0x80, v3, vm0, $0xb8;
	[tilespmem:$0x10080] =	vst v63  }
0xb5: {  	s18 =	simm.s32 $0xB800  }
0xb6: {  	[hbm4b:s6+s2] =	stream.indirect_vreg.scatter [tilespmem:s18], [sflag:$0x1], $0x80, v3, vm0, $0xb8;
	[tilespmem:$0x10080] =	vst v63  }
0xb7: {  	v3 =	vld [tilespmem:$0x10030];
	_ =	sdelay $0x4  }
0xb8: {  	v63 =	vshll.u32 v3, $0x3  }
0xb9: {  	v3 =	vand.u32 $0x7, v3;
	v4 =	vand.u32 $0xFFFFFFC0, v63  }
0xba: {  	v3 =	vor.u32 v3, v4  }
0xbb: {  	v4 =	vperm.xlane v3, v0;
	_ =	sdelay $0x1  }
0xbc: {  	v4 =	vadd.s32 v1, v4;
	_ =	sdelay $0x3  }
0xbd: {  	s18 =	simm.s32 $0xC000  }
0xbe: {  	[hbm4b:s3+s2] =	stream.indirect_vreg.scatter [tilespmem:s18], [sflag:$0x1], $0x80, v4, vm0, $0xb8;
	[tilespmem:$0x10080] =	vst v63  }
0xbf: {  	v3 =	vperm.xlane v3, v2;
	s18 =	simm.s32 $0xC800  }
0xc0: {  	[hbm4b:s4+s2] =	stream.indirect_vreg.scatter [tilespmem:s18], [sflag:$0x1], $0x80, v4, vm0, $0xb8;
	[tilespmem:$0x10080] =	vst v63  }
0xc1: {  	v3 =	vadd.s32 v1, v3;
	s18 =	simm.s32 $0xD000  }
0xc2: {  	[hbm4b:s5+s2] =	stream.indirect_vreg.scatter [tilespmem:s18], [sflag:$0x1], $0x80, v4, vm0, $0xb8;
	[tilespmem:$0x10080] =	vst v63  }
0xc3: {  	s18 =	simm.s32 $0xD800  }
0xc4: {  	[hbm4b:s6+s2] =	stream.indirect_vreg.scatter [tilespmem:s18], [sflag:$0x1], $0x80, v4, vm0, $0xb8;
	[tilespmem:$0x10080] =	vst v63  }
0xc5: {  	s18 =	simm.s32 $0xE000  }
0xc6: {  	[hbm4b:s3+s2] =	stream.indirect_vreg.scatter [tilespmem:s18], [sflag:$0x1], $0x80, v3, vm0, $0xb8;
	[tilespmem:$0x10080] =	vst v63  }
0xc7: {  	s18 =	simm.s32 $0xE800  }
0xc8: {  	[hbm4b:s4+s2] =	stream.indirect_vreg.scatter [tilespmem:s18], [sflag:$0x1], $0x80, v3, vm0, $0xb8;
	[tilespmem:$0x10080] =	vst v63  }
0xc9: {  	p0 =	sne.s32 s7, $0x1;
	s18 =	simm.s32 $0xF000  }
0xca: {  	[hbm4b:s5+s2] =	stream.indirect_vreg.scatter [tilespmem:s18], [sflag:$0x1], $0x80, v3, vm0, $0xb8;
	[tilespmem:$0x10080] =	vst v63  }
.Ltmp0:
0xcb: {  	s18 =	simm.s32 $0xF800;
	(pc) =	sbr.rel @p0 .LBB2_1-.Ltmp0, $4  }
0xcc: {  	[hbm4b:s6+s2] =	stream.indirect_vreg.scatter [tilespmem:s18], [sflag:$0x1], $0x80, v3, vm0, $0xb8;
	[tilespmem:$0x10080] =	vst v63  }
0xcd: {  	_ =	swait.ge [sflag:s17], $0x10000  }
0xce: {  	[sflag:s17] =	ssyncset.done $0x0  }
0xcf: {  	s7 =	sadd.s32 $0xFFFFFFFF, s7;
	[sflag:s17] =	ssyncadd.s32 $0xFFFF0000  }
0xd0: {  	_ =	sfence.sel $0x180000  }
0xd1: {  	[bflag:$0x0] =	sbarrier.arrive $0xFFFF  }
0xd2: {  	_ =	strace $0x90000047  }
0xd3: {  	s0 =	stileid.u32;
	[bflag:$0x2] =	sbarrier.arrive $0xFFFF  }
0xd4: {  	p0 =	sne.s32 s0, $0x0;
	s0 =	rddreg [dreg:$0x2]  }
0xd5: {  	s0 =	sadd.s32 @!p0 $0x100000, s0  }
0xd6: {  	[sflag:s0] =	ssyncadd.tile.s32 @!p0 $0x1;
	_ =	shalt  }
.Lfunc_end2:
_tile_overlayer_lowered:
.L_overlay_start_2:
0xd7: {  	(tag) =	ssettag $0x2  }
0xd8: {  	s0 =	rddreg [dreg:$0x0];
	s2 =	stileid.u32  }
0xd9: {  	s1 =	rddreg [dreg:$0x1];
	p0 =	sne.s32 s2, $0x0  }
0xda: {  	s3 =	rddreg [dreg:$0x2];
	[bflag:$0x3] =	sbarrier.arrive $0xFFFF;
	s2 =	simm.s32 @!p0 $0x1C02  }
0xdb: {  	[timem:s3], [sflag:s2] =	dma.local @!p0 [hbm:s0], s1  }
0xdc: {  	s0 =	simm.s32 @!p0 $0x2  }
0xdd: {  	_ =	swait.ge @!p0 [sflag:s0], s1  }
0xde: {  	s1 =	ssub.s32 @!p0 $0x0, s1;
	[sflag:s0] =	ssyncset.done @!p0 $0x0  }
0xdf: {  	[sflag:s0] =	ssyncadd.s32 @!p0 s1  }
0xe0: {  	[bflag:$0x3] =	sbarrier.arrive $0xFFFF  }
0xe1: {  	_ =	shalt  }

</sc_bundles>
